<compile_context>
chip_gen: v7x
topology: tpu7x:2x2x1
jax: 0.10.2.dev20260603
libtpu: 0.0.44.dev20260713+nightly
codegen_flags: <defaults>
</compile_context>

<pallas_src>
import functools

import jax
import jax.numpy as jnp
from jax import lax
from jax.experimental import pallas as pl
from jax.experimental.pallas import tpu as pltpu
from jax.experimental.pallas import tpu_sc as plsc

VOCAB = 1000000
EMBED_DIM = 32
BATCH = 4096
SEQ = 200
IGNORE_INDEX = -100

B_TOTAL = BATCH * SEQ
NUM_WORKERS = 32
CHUNK = 1024
QB = BATCH // CHUNK
N_UNITS = SEQ * QB
UNITS_PER_W = N_UNITS // NUM_WORKERS
LANES = 16
TR = EMBED_DIM // 8
TCL = CHUNK // 128
JP = 129

_mesh = plsc.VectorSubcoreMesh(core_axis_name="c", subcore_axis_name="s")


@functools.partial(
    pl.kernel,
    mesh=_mesh,
    out_type=jax.ShapeDtypeStruct((SEQ, TR, BATCH // 128, 8, 128),
                                  jnp.float32),
    scratch_types=[
        pltpu.VMEM((CHUNK,), jnp.int32),
        pltpu.VMEM((CHUNK,), jnp.int32),
        pltpu.VMEM((CHUNK, EMBED_DIM), jnp.float32),
        pltpu.VMEM((CHUNK, EMBED_DIM), jnp.float32),
        pltpu.VMEM((TR, TCL, 8, JP), jnp.float32),
        pltpu.SemaphoreType.DMA,
        pltpu.SemaphoreType.DMA,
        pltpu.SemaphoreType.DMA,
        pltpu.SemaphoreType.DMA,
        pltpu.SemaphoreType.DMA,
    ],
    compiler_params=pltpu.CompilerParams(use_tc_tiling_on_sc=False,
                                         needs_layout_passes=False),
    cost_estimate=pl.CostEstimate(
        flops=0, transcendentals=0, bytes_accessed=213_000_000),
)
def _embed_sc(idx_hbm, table_hbm, out_hbm, idx0, idx1, rows0, rows1, st,
              si0, si1, sg0, sg1, so):
    wid = lax.axis_index("s") * 2 + lax.axis_index("c")
    u0 = wid * UNITS_PER_W
    idx_v = (idx0, idx1)
    rows_v = (rows0, rows1)
    sem_i = (si0, si1)
    sem_g = (sg0, sg1)

    l16 = lax.iota(jnp.int32, LANES)
    lo_tr = l16 // 8
    lo_j8 = l16 % 8
    hi_tr = lo_tr + 2
    ones = jnp.ones((LANES,), jnp.int32)

    def start_idx(k, b):
        pltpu.make_async_copy(idx_hbm.at[pl.ds((u0 + k) * CHUNK, CHUNK)],
                              idx_v[b], sem_i[b]).start()

    def wait_idx(b):
        pltpu.make_async_copy(idx_hbm.at[pl.ds(0, CHUNK)],
                              idx_v[b], sem_i[b]).wait()

    def fix(b):
        def fix_body(j, c):
            v = idx_v[b][pl.ds(j * LANES, LANES)]
            v = jnp.where(v == IGNORE_INDEX, 1, v)
            r = (v & -2048) + ((v & 511) << 2) + ((v >> 9) & 3)
            idx_v[b][pl.ds(j * LANES, LANES)] = r
            return c
        lax.fori_loop(0, CHUNK // LANES, fix_body, 0)

    def start_gather(b):
        pltpu.make_async_copy(table_hbm.at[idx_v[b]],
                              rows_v[b], sem_g[b]).start()

    def wait_gather(b):
        pltpu.make_async_copy(table_hbm.at[idx_v[b]],
                              rows_v[b], sem_g[b]).wait()

    def transpose(b):
        rows = rows_v[b]

        @plsc.parallel_loop(0, TCL, 1)
        def _(tcl):
            tclv = ones * tcl

            @plsc.parallel_loop(0, 128, 1, unroll=4)
            def _(b7):
                i = tcl * 128 + b7
                b7v = ones * b7
                lo = rows[i, pl.ds(0, LANES)]
                hi = rows[i, pl.ds(LANES, LANES)]
                plsc.store_scatter(st, [lo_tr, tclv, lo_j8, b7v], lo)
                plsc.store_scatter(st, [hi_tr, tclv, lo_j8, b7v], hi)

    def start_out(k):
        u = u0 + k
        s = u // QB
        qb = u % QB
        for tr in range(TR):
            pltpu.make_async_copy(
                st.at[tr, :, :, pl.ds(0, 128)],
                out_hbm.at[s, tr, pl.ds(qb * TCL, TCL)], so).start()

    def wait_out():
        for tr in range(TR):
            pltpu.make_async_copy(
                st.at[tr, :, :, pl.ds(0, 128)],
                out_hbm.at[0, tr, pl.ds(0, TCL)], so).wait()

    start_idx(0, 0)
    wait_idx(0)
    fix(0)
    start_gather(0)
    start_idx(1, 1)

    def step(k, b):
        nb = 1 - b

        @pl.when(k + 1 < UNITS_PER_W)
        def _():
            wait_idx(nb)
            fix(nb)

        wait_gather(b)

        @pl.when(k + 1 < UNITS_PER_W)
        def _():
            start_gather(nb)

        @pl.when(k >= 1)
        def _():
            wait_out()

        transpose(b)
        start_out(k)

        @pl.when(k + 2 < UNITS_PER_W)
        def _():
            start_idx(k + 2, b)

    def pair(k2, c):
        for b in (0, 1):
            k = k2 * 2 + b

            @pl.when(k < UNITS_PER_W)
            def _():
                step(k, b)
        return c

    lax.fori_loop(0, (UNITS_PER_W + 1) // 2, pair, 0)
    wait_out()


_DETILE_V = 2048
_DETILE_GRID = (VOCAB + _DETILE_V - 1) // _DETILE_V
_VSLOTS = _DETILE_GRID * _DETILE_V


def _detile_body(t_ref, out_ref):
    x = t_ref[...]
    z = jnp.concatenate([x[:, c * 512:(c + 1) * 512] for c in range(4)],
                        axis=0)
    out_ref[...] = z.T


def _detile(table_t):
    return pl.pallas_call(
        _detile_body,
        grid=(_DETILE_GRID,),
        in_specs=[pl.BlockSpec((EMBED_DIM, _DETILE_V), lambda j: (0, j))],
        out_specs=pl.BlockSpec((512, 128), lambda j: (j, 0)),
        out_shape=jax.ShapeDtypeStruct((_VSLOTS // 4, 128), jnp.float32),
    )(table_t)


def kernel(input, table):
    idx = input.T.reshape(-1)
    tbl_rm = _detile(table.T).reshape(_VSLOTS, EMBED_DIM)
    out6 = _embed_sc(idx, tbl_rm)
    out = out6.transpose(2, 4, 0, 1, 3).reshape(BATCH, SEQ, EMBED_DIM)
    return out

# --- scband reference (transcript-rebuilt; emitter-appended) ---
"""Pipeline reference for scband-embedding-layer-5085241278527 (READ-ONLY COPY).

The authoritative reference and input builder live on the scoring server;
editing this copy changes nothing except your own understanding.
"""

import jax, jax.numpy as jnp
import numpy as np

VOCAB = 1000000
EMBED_DIM = 32
BATCH = 4096
SEQ = 200
IGNORE_INDEX = -100

def setup_inputs(seed: int = 0) -> dict:
    key = jax.random.key(seed)
    k_idx, k_tab = jax.random.split(key)
    input = jax.random.randint(k_idx, (BATCH, SEQ), 0, VOCAB, dtype=jnp.int64 if jax.config.jax_enable_x64 else jnp.int32)
    table = jax.random.normal(k_tab, (VOCAB, EMBED_DIM), dtype=jnp.float32) * 0.02
    return {"input": input, "table": table}

def reference(input, table):
    # Faithful translation of EmbeddingLayer.forward:
    # positions equal to ignore_index are replaced by embedding row 1,
    # all other positions use the standard embedding lookup.
    safe_idx = jnp.where(input == IGNORE_INDEX, 1, input)
    out = jnp.take(table, safe_idx, axis=0)  # [batch, seq, embed_dim]
    return out

if __name__ == "__main__":
    import jax
    _d = setup_inputs()
    print(jax.jit(kernel)(*tuple(_d.values())))

</pallas_src>

<mosaic_0001>
#map = affine_map<(d0, d1) -> (0)>
#map1 = affine_map<(d0, d1) -> (0, 0)>
#map2 = affine_map<(d0, d1) -> (0, 0, 0, 0, 0)>
module attributes {stable_mosaic.version = 14 : i64} {
  func.func @_embed_sc(%arg0: i32, %arg1: i32, %arg2: memref<819200xi32, #tpu.memory_space<hbm>>, %arg3: memref<1001472x32xf32, #tpu.memory_space<hbm>>, %arg4: memref<200x4x32x8x128xf32, #tpu.memory_space<hbm>>, %arg5: memref<1024xi32, #tpu.memory_space<vmem>>, %arg6: memref<1024xi32, #tpu.memory_space<vmem>>, %arg7: memref<1024x32xf32, #tpu.memory_space<vmem>>, %arg8: memref<1024x32xf32, #tpu.memory_space<vmem>>, %arg9: memref<4x8x8x129xf32, #tpu.memory_space<vmem>>, %arg10: memref<!tpu.dma_semaphore, #tpu.memory_space<semaphore_mem>>, %arg11: memref<!tpu.dma_semaphore, #tpu.memory_space<semaphore_mem>>, %arg12: memref<!tpu.dma_semaphore, #tpu.memory_space<semaphore_mem>>, %arg13: memref<!tpu.dma_semaphore, #tpu.memory_space<semaphore_mem>>, %arg14: memref<!tpu.dma_semaphore, #tpu.memory_space<semaphore_mem>>) attributes {dimension_semantics = [#tpu.dimension_semantics<core_parallel>, #tpu.dimension_semantics<subcore_parallel>], iteration_bounds = array<i64: 2, 16>, scalar_prefetch = 0 : i64, scratch_operands = 10 : i64, tpu.core_type = #tpu.core_type<sc_vector_subcore>, window_params = [{transform_indices = #map}, {transform_indices = #map1}, {transform_indices = #map2}]} {
    %mul3A = arith.constant 2 : i32
    %mul3A_0 = arith.muli %arg1, %mul3A : i32
    %add3A = arith.addi %mul3A_0, %arg0 : i32
    %mul3A_1 = arith.constant 25 : i32
    %mul3A_2 = arith.muli %add3A, %mul3A_1 : i32
    %iota3A = tpu.iota {dimensions = array<i32: 0>} : vector<16xi32>
    %jit3A = arith.constant 8 : i32
    %div3A = vector.broadcast %jit3A : i32 to vector<16xi32>
    %div3A_3 = arith.divsi %iota3A, %div3A : vector<16xi32>
    %sign3A = arith.constant 0 : i32
    %sign3A_4 = vector.broadcast %sign3A : i32 to vector<16xi32>
    %sign3A_5 = arith.cmpi sgt, %iota3A, %sign3A_4 : vector<16xi32>
    %sign3A_6 = arith.extui %sign3A_5 : vector<16xi1> to vector<16xi32>
    %sign3A_7 = arith.constant 0 : i32
    %sign3A_8 = vector.broadcast %sign3A_7 : i32 to vector<16xi32>
    %sign3A_9 = arith.cmpi slt, %iota3A, %sign3A_8 : vector<16xi32>
    %sign3A_10 = arith.extui %sign3A_9 : vector<16xi1> to vector<16xi32>
    %sign3A_11 = arith.subi %sign3A_6, %sign3A_10 : vector<16xi32>
    %sign3A_12 = arith.constant 0 : i32
    %sign3A_13 = arith.cmpi sgt, %jit3A, %sign3A_12 : i32
    %sign3A_14 = arith.extui %sign3A_13 : i1 to i32
    %sign3A_15 = arith.constant 0 : i32
    %sign3A_16 = arith.cmpi slt, %jit3A, %sign3A_15 : i32
    %sign3A_17 = arith.extui %sign3A_16 : i1 to i32
    %sign3A_18 = arith.subi %sign3A_14, %sign3A_17 : i32
    %ne3A = vector.broadcast %sign3A_18 : i32 to vector<16xi32>
    %ne3A_19 = arith.cmpi ne, %sign3A_11, %ne3A : vector<16xi32>
    %rem3A = vector.broadcast %jit3A : i32 to vector<16xi32>
    %rem3A_20 = arith.remsi %iota3A, %rem3A : vector<16xi32>
    %ne3A_21 = arith.constant 0 : i32
    %ne3A_22 = vector.broadcast %ne3A_21 : i32 to vector<16xi32>
    %ne3A_23 = arith.cmpi ne, %rem3A_20, %ne3A_22 : vector<16xi32>
    %and3A = arith.andi %ne3A_19, %ne3A_23 : vector<16xi1>
    %sub3A = arith.constant 1 : i32
    %sub3A_24 = vector.broadcast %sub3A : i32 to vector<16xi32>
    %sub3A_25 = arith.subi %div3A_3, %sub3A_24 : vector<16xi32>
    %select_n3A = arith.select %and3A, %sub3A_25, %div3A_3 : vector<16xi1>, vector<16xi32>
    %jit3A_26 = arith.constant 8 : i32
    %eq3A = arith.constant 0 : i32
    %eq3A_27 = arith.cmpi eq, %jit3A_26, %eq3A : i32
    %jit3A_28 = arith.constant 1 : i32
    %select_n3A_29 = arith.select %eq3A_27, %jit3A_28, %jit3A_26 : i32
    %rem3A_30 = vector.broadcast %select_n3A_29 : i32 to vector<16xi32>
    %rem3A_31 = arith.remsi %iota3A, %rem3A_30 : vector<16xi32>
    %ne3A_32 = arith.constant 0 : i32
    %ne3A_33 = vector.broadcast %ne3A_32 : i32 to vector<16xi32>
    %ne3A_34 = arith.cmpi ne, %rem3A_31, %ne3A_33 : vector<16xi32>
    %lt3A = arith.constant 0 : i32
    %lt3A_35 = vector.broadcast %lt3A : i32 to vector<16xi32>
    %lt3A_36 = arith.cmpi slt, %rem3A_31, %lt3A_35 : vector<16xi32>
    %lt3A_37 = arith.constant 0 : i32
    %lt3A_38 = arith.cmpi slt, %select_n3A_29, %lt3A_37 : i32
    %ne3A_39 = vector.broadcast %lt3A_38 : i1 to vector<16xi1>
    %ne3A_40 = vector.broadcast %ne3A_39 : vector<16xi1> to vector<16xi1>
    %ne3A_41 = arith.xori %lt3A_36, %ne3A_40 : vector<16xi1>
    %and3A_42 = arith.andi %ne3A_41, %ne3A_34 : vector<16xi1>
    %add3A_43 = vector.broadcast %select_n3A_29 : i32 to vector<16xi32>
    %add3A_44 = arith.addi %rem3A_31, %add3A_43 : vector<16xi32>
    %select_n3A_45 = arith.select %and3A_42, %add3A_44, %rem3A_31 : vector<16xi1>, vector<16xi32>
    %add3A_46 = arith.constant 2 : i32
    %add3A_47 = vector.broadcast %add3A_46 : i32 to vector<16xi32>
    %add3A_48 = arith.addi %select_n3A, %add3A_47 : vector<16xi32>
    %broadcast_in_dim3A = arith.constant 1 : i32
    %broadcast_in_dim3A_49 = vector.broadcast %broadcast_in_dim3A : i32 to vector<16xi32>
    %add3A_50 = arith.constant 0 : i32
    %add3A_51 = arith.addi %mul3A_2, %add3A_50 : i32
    %mul3A_52 = arith.constant 1024 : i32
    %mul3A_53 = arith.muli %add3A_51, %mul3A_52 : i32
    %dma_start3A = tpu.memref_slice %arg2[%mul3A_53] : memref<819200xi32, #tpu.memory_space<hbm>> -> memref<1024xi32, #tpu.memory_space<hbm>>
    %dma_start3A_54 = tpu.memref_slice %arg2[%mul3A_53] : memref<819200xi32, #tpu.memory_space<hbm>> -> memref<1024xi32, #tpu.memory_space<hbm>>
    tpu.enqueue_dma source(%dma_start3A_54 : memref<1024xi32, #tpu.memory_space<hbm>>) target(%arg5 : memref<1024xi32, #tpu.memory_space<vmem>>) target_semaphore(%arg10 : memref<!tpu.dma_semaphore, #tpu.memory_space<semaphore_mem>>)
    %dma_wait3A = arith.constant 0 : i32
    %dma_wait3A_55 = tpu.memref_slice %arg2[%dma_wait3A] : memref<819200xi32, #tpu.memory_space<hbm>> -> memref<1024xi32, #tpu.memory_space<hbm>>
    %dma_wait3A_56 = arith.constant 0 : i32
    %dma_wait3A_57 = tpu.memref_slice %arg2[%dma_wait3A_56] : memref<819200xi32, #tpu.memory_space<hbm>> -> memref<1024xi32, #tpu.memory_space<hbm>>
    tpu.wait_dma2 semaphore(%arg10 : memref<!tpu.dma_semaphore, #tpu.memory_space<semaphore_mem>>) src(%dma_wait3A_57 : memref<1024xi32, #tpu.memory_space<hbm>>) dst(%arg5 : memref<1024xi32, #tpu.memory_space<vmem>>)
    %scan3A = arith.constant 0 : i32
    %scan3A_58 = arith.constant 0 : i32
    %scan3A_59 = arith.constant 64 : i32
    %scan3A_60 = arith.addi %scan3A_58, %scan3A_59 : i32
    %scan3A_61 = arith.constant 1 : i32
    scf.for %scan3A_170 = %scan3A_58 to %scan3A_60 step %scan3A_61  : i32 {
      %mul3A_171 = arith.constant 16 : i32
      %mul3A_172 = arith.muli %scan3A_170, %mul3A_171 : i32
      %get3A = arith.index_cast %mul3A_172 : i32 to index
      %get3A_173 = tpu.vector_load %arg5[%get3A] {strides = array<i32>} : memref<1024xi32, #tpu.memory_space<vmem>>, vector<16xi32>,
      %eq3A_174 = arith.constant -100 : i32
      %eq3A_175 = vector.broadcast %eq3A_174 : i32 to vector<16xi32>
      %eq3A_176 = arith.cmpi eq, %get3A_173, %eq3A_175 : vector<16xi32>
      %jit3A_177 = arith.constant 1 : i32
      %broadcast_in_dim3A_178 = vector.broadcast %jit3A_177 : i32 to vector<16xi32>
      %select_n3A_179 = arith.select %eq3A_176, %broadcast_in_dim3A_178, %get3A_173 : vector<16xi1>, vector<16xi32>
      %and3A_180 = arith.constant -2048 : i32
      %and3A_181 = vector.broadcast %and3A_180 : i32 to vector<16xi32>
      %and3A_182 = arith.andi %select_n3A_179, %and3A_181 : vector<16xi32>
      %and3A_183 = arith.constant 511 : i32
      %and3A_184 = vector.broadcast %and3A_183 : i32 to vector<16xi32>
      %and3A_185 = arith.andi %select_n3A_179, %and3A_184 : vector<16xi32>
      %shift_left3A = arith.constant 2 : i32
      %shift_left3A_186 = vector.broadcast %shift_left3A : i32 to vector<16xi32>
      %shift_left3A_187 = arith.shli %and3A_185, %shift_left3A_186 : vector<16xi32>
      %add3A_188 = arith.addi %and3A_182, %shift_left3A_187 : vector<16xi32>
      %shift_right_arithmetic3A = arith.constant 9 : i32
      %shift_right_arithmetic3A_189 = vector.broadcast %shift_right_arithmetic3A : i32 to vector<16xi32>
      %shift_right_arithmetic3A_190 = arith.shrsi %select_n3A_179, %shift_right_arithmetic3A_189 : vector<16xi32>
      %and3A_191 = arith.constant 3 : i32
      %and3A_192 = vector.broadcast %and3A_191 : i32 to vector<16xi32>
      %and3A_193 = arith.andi %shift_right_arithmetic3A_190, %and3A_192 : vector<16xi32>
      %add3A_194 = arith.addi %add3A_188, %and3A_193 : vector<16xi32>
      %mul3A_195 = arith.constant 16 : i32
      %mul3A_196 = arith.muli %scan3A_170, %mul3A_195 : i32
      %swap3A = arith.index_cast %mul3A_196 : i32 to index
      %swap3A_197 = tpu.vector_load %arg5[%swap3A] {strides = array<i32>} : memref<1024xi32, #tpu.memory_space<vmem>>, vector<16xi32>,
      tpu.vector_store %arg5[%swap3A], %add3A_194 {strides = array<i32>} : memref<1024xi32, #tpu.memory_space<vmem>>, vector<16xi32>,
    }
    %scan3A_62 = arith.constant 64 : i32
    %dma_start3A_63 = arith.constant 0 : i32
    %dma_start3A_64 = arith.constant 0 : i32
    %dma_start3A_65 = tpu.memref_slice %arg3[%dma_start3A_63, %dma_start3A_64] : memref<1001472x32xf32, #tpu.memory_space<hbm>> -> memref<1001472x32xf32, #tpu.memory_space<hbm>>
    tpu.enqueue_indirect_dma source(%dma_start3A_65 : memref<1001472x32xf32, #tpu.memory_space<hbm>>) target(%arg7 : memref<1024x32xf32, #tpu.memory_space<vmem>>) offsets(%arg5 : memref<1024xi32, #tpu.memory_space<vmem>>) semaphore(%arg12 : memref<!tpu.dma_semaphore, #tpu.memory_space<semaphore_mem>>)
    %add3A_66 = arith.constant 1 : i32
    %add3A_67 = arith.addi %mul3A_2, %add3A_66 : i32
    %mul3A_68 = arith.constant 1024 : i32
    %mul3A_69 = arith.muli %add3A_67, %mul3A_68 : i32
    %dma_start3A_70 = tpu.memref_slice %arg2[%mul3A_69] : memref<819200xi32, #tpu.memory_space<hbm>> -> memref<1024xi32, #tpu.memory_space<hbm>>
    %dma_start3A_71 = tpu.memref_slice %arg2[%mul3A_69] : memref<819200xi32, #tpu.memory_space<hbm>> -> memref<1024xi32, #tpu.memory_space<hbm>>
    tpu.enqueue_dma source(%dma_start3A_71 : memref<1024xi32, #tpu.memory_space<hbm>>) target(%arg6 : memref<1024xi32, #tpu.memory_space<vmem>>) target_semaphore(%arg11 : memref<!tpu.dma_semaphore, #tpu.memory_space<semaphore_mem>>)
    %scan3A_72 = arith.constant 0 : i32
    %scan3A_73 = arith.constant 0 : i32
    %scan3A_74 = arith.constant 13 : i32
    %scan3A_75 = arith.addi %scan3A_73, %scan3A_74 : i32
    %scan3A_76 = arith.constant 1 : i32
    scf.for %scan3A_170 = %scan3A_73 to %scan3A_75 step %scan3A_76  : i32 {
      %mul3A_171 = arith.constant 2 : i32
      %mul3A_172 = arith.muli %scan3A_170, %mul3A_171 : i32
      %add3A_173 = arith.constant 0 : i32
      %add3A_174 = arith.addi %mul3A_172, %add3A_173 : i32
      %lt3A_175 = arith.constant 25 : i32
      %lt3A_176 = arith.cmpi slt, %add3A_174, %lt3A_175 : i32
      %convert_element_type3A = arith.extui %lt3A_176 : i1 to i32
      %cond3A = arith.constant 0 : i32
      %cond3A_177 = arith.cmpi ne, %convert_element_type3A, %cond3A : i32
      scf.if %cond3A_177 {
        %add3A_187 = arith.constant 1 : i32
        %add3A_188 = arith.addi %add3A_174, %add3A_187 : i32
        %lt3A_189 = arith.constant 25 : i32
        %lt3A_190 = arith.cmpi slt, %add3A_188, %lt3A_189 : i32
        %convert_element_type3A_191 = arith.extui %lt3A_190 : i1 to i32
        %cond3A_192 = arith.constant 0 : i32
        %cond3A_193 = arith.cmpi ne, %convert_element_type3A_191, %cond3A_192 : i32
        scf.if %cond3A_193 {
          %dma_wait3A_346 = arith.constant 0 : i32
          %dma_wait3A_347 = tpu.memref_slice %arg2[%dma_wait3A_346] : memref<819200xi32, #tpu.memory_space<hbm>> -> memref<1024xi32, #tpu.memory_space<hbm>>
          %dma_wait3A_348 = arith.constant 0 : i32
          %dma_wait3A_349 = tpu.memref_slice %arg2[%dma_wait3A_348] : memref<819200xi32, #tpu.memory_space<hbm>> -> memref<1024xi32, #tpu.memory_space<hbm>>
          tpu.wait_dma2 semaphore(%arg11 : memref<!tpu.dma_semaphore, #tpu.memory_space<semaphore_mem>>) src(%dma_wait3A_349 : memref<1024xi32, #tpu.memory_space<hbm>>) dst(%arg6 : memref<1024xi32, #tpu.memory_space<vmem>>)
          %scan3A_350 = arith.constant 0 : i32
          %scan3A_351 = arith.constant 0 : i32
          %scan3A_352 = arith.constant 64 : i32
          %scan3A_353 = arith.addi %scan3A_351, %scan3A_352 : i32
          %scan3A_354 = arith.constant 1 : i32
          scf.for %scan3A_356 = %scan3A_351 to %scan3A_353 step %scan3A_354  : i32 {
            %mul3A_357 = arith.constant 16 : i32
            %mul3A_358 = arith.muli %scan3A_356, %mul3A_357 : i32
            %get3A = arith.index_cast %mul3A_358 : i32 to index
            %get3A_359 = tpu.vector_load %arg6[%get3A] {strides = array<i32>} : memref<1024xi32, #tpu.memory_space<vmem>>, vector<16xi32>,
            %eq3A_360 = arith.constant -100 : i32
            %eq3A_361 = vector.broadcast %eq3A_360 : i32 to vector<16xi32>
            %eq3A_362 = arith.cmpi eq, %get3A_359, %eq3A_361 : vector<16xi32>
            %jit3A_363 = arith.constant 1 : i32
            %broadcast_in_dim3A_364 = vector.broadcast %jit3A_363 : i32 to vector<16xi32>
            %select_n3A_365 = arith.select %eq3A_362, %broadcast_in_dim3A_364, %get3A_359 : vector<16xi1>, vector<16xi32>
            %and3A_366 = arith.constant -2048 : i32
            %and3A_367 = vector.broadcast %and3A_366 : i32 to vector<16xi32>
            %and3A_368 = arith.andi %select_n3A_365, %and3A_367 : vector<16xi32>
            %and3A_369 = arith.constant 511 : i32
            %and3A_370 = vector.broadcast %and3A_369 : i32 to vector<16xi32>
            %and3A_371 = arith.andi %select_n3A_365, %and3A_370 : vector<16xi32>
            %shift_left3A = arith.constant 2 : i32
            %shift_left3A_372 = vector.broadcast %shift_left3A : i32 to vector<16xi32>
            %shift_left3A_373 = arith.shli %and3A_371, %shift_left3A_372 : vector<16xi32>
            %add3A_374 = arith.addi %and3A_368, %shift_left3A_373 : vector<16xi32>
            %shift_right_arithmetic3A = arith.constant 9 : i32
            %shift_right_arithmetic3A_375 = vector.broadcast %shift_right_arithmetic3A : i32 to vector<16xi32>
            %shift_right_arithmetic3A_376 = arith.shrsi %select_n3A_365, %shift_right_arithmetic3A_375 : vector<16xi32>
            %and3A_377 = arith.constant 3 : i32
            %and3A_378 = vector.broadcast %and3A_377 : i32 to vector<16xi32>
            %and3A_379 = arith.andi %shift_right_arithmetic3A_376, %and3A_378 : vector<16xi32>
            %add3A_380 = arith.addi %add3A_374, %and3A_379 : vector<16xi32>
            %mul3A_381 = arith.constant 16 : i32
            %mul3A_382 = arith.muli %scan3A_356, %mul3A_381 : i32
            %swap3A = arith.index_cast %mul3A_382 : i32 to index
            %swap3A_383 = tpu.vector_load %arg6[%swap3A] {strides = array<i32>} : memref<1024xi32, #tpu.memory_space<vmem>>, vector<16xi32>,
            tpu.vector_store %arg6[%swap3A], %add3A_380 {strides = array<i32>} : memref<1024xi32, #tpu.memory_space<vmem>>, vector<16xi32>,
          }
          %scan3A_355 = arith.constant 64 : i32
        } else {
        }
        %dma_wait3A_194 = arith.constant 0 : i32
        %dma_wait3A_195 = arith.constant 0 : i32
        %dma_wait3A_196 = tpu.memref_slice %arg3[%dma_wait3A_194, %dma_wait3A_195] : memref<1001472x32xf32, #tpu.memory_space<hbm>> -> memref<1001472x32xf32, #tpu.memory_space<hbm>>
        tpu.wait_indirect_dma semaphore(%arg12 : memref<!tpu.dma_semaphore, #tpu.memory_space<semaphore_mem>>) src(%dma_wait3A_196 : memref<1001472x32xf32, #tpu.memory_space<hbm>>) dst(%arg7 : memref<1024x32xf32, #tpu.memory_space<vmem>>)
        %add3A_197 = arith.constant 1 : i32
        %add3A_198 = arith.addi %add3A_174, %add3A_197 : i32
        %lt3A_199 = arith.constant 25 : i32
        %lt3A_200 = arith.cmpi slt, %add3A_198, %lt3A_199 : i32
        %convert_element_type3A_201 = arith.extui %lt3A_200 : i1 to i32
        %cond3A_202 = arith.constant 0 : i32
        %cond3A_203 = arith.cmpi ne, %convert_element_type3A_201, %cond3A_202 : i32
        scf.if %cond3A_203 {
          %dma_start3A_346 = arith.constant 0 : i32
          %dma_start3A_347 = arith.constant 0 : i32
          %dma_start3A_348 = tpu.memref_slice %arg3[%dma_start3A_346, %dma_start3A_347] : memref<1001472x32xf32, #tpu.memory_space<hbm>> -> memref<1001472x32xf32, #tpu.memory_space<hbm>>
          tpu.enqueue_indirect_dma source(%dma_start3A_348 : memref<1001472x32xf32, #tpu.memory_space<hbm>>) target(%arg8 : memref<1024x32xf32, #tpu.memory_space<vmem>>) offsets(%arg6 : memref<1024xi32, #tpu.memory_space<vmem>>) semaphore(%arg13 : memref<!tpu.dma_semaphore, #tpu.memory_space<semaphore_mem>>)
        } else {
        }
        %ge3A = arith.constant 1 : i32
        %ge3A_204 = arith.cmpi sge, %add3A_174, %ge3A : i32
        %convert_element_type3A_205 = arith.extui %ge3A_204 : i1 to i32
        %cond3A_206 = arith.constant 0 : i32
        %cond3A_207 = arith.cmpi ne, %convert_element_type3A_205, %cond3A_206 : i32
        scf.if %cond3A_207 {
          %dma_wait3A_346 = arith.constant 0 : i32
          %dma_wait3A_347 = arith.constant 0 : i32
          %dma_wait3A_348 = arith.constant 0 : i32
          %dma_wait3A_349 = arith.constant 0 : i32
          %dma_wait3A_350 = arith.constant 0 : i32
          %dma_wait3A_351 = arith.constant 0 : i32
          %dma_wait3A_352 = tpu.memref_slice %arg9[%dma_wait3A_346, %dma_wait3A_349, %dma_wait3A_350, %dma_wait3A_351] : memref<4x8x8x129xf32, #tpu.memory_space<vmem>> -> memref<1x8x8x128xf32, #tpu.memory_space<vmem>>
          %dma_wait3A_353 = tpu.memref_squeeze %dma_wait3A_352 : memref<1x8x8x128xf32, #tpu.memory_space<vmem>> -> memref<8x8x128xf32, #tpu.memory_space<vmem>>
          %dma_wait3A_354 = arith.constant 0 : i32
          %dma_wait3A_355 = arith.constant 0 : i32
          %dma_wait3A_356 = arith.constant 0 : i32
          %dma_wait3A_357 = tpu.memref_slice %arg4[%dma_wait3A_347, %dma_wait3A_348, %dma_wait3A_354, %dma_wait3A_355, %dma_wait3A_356] : memref<200x4x32x8x128xf32, #tpu.memory_space<hbm>> -> memref<1x1x8x8x128xf32, #tpu.memory_space<hbm>>
          %dma_wait3A_358 = tpu.memref_squeeze %dma_wait3A_357 : memref<1x1x8x8x128xf32, #tpu.memory_space<hbm>> -> memref<8x8x128xf32, #tpu.memory_space<hbm>>
          %dma_wait3A_359 = arith.constant 0 : i32
          %dma_wait3A_360 = arith.constant 0 : i32
          %dma_wait3A_361 = arith.constant 0 : i32
          %dma_wait3A_362 = tpu.memref_slice %arg4[%dma_wait3A_347, %dma_wait3A_348, %dma_wait3A_359, %dma_wait3A_360, %dma_wait3A_361] : memref<200x4x32x8x128xf32, #tpu.memory_space<hbm>> -> memref<1x1x8x8x128xf32, #tpu.memory_space<hbm>>
          %dma_wait3A_363 = tpu.memref_squeeze %dma_wait3A_362 : memref<1x1x8x8x128xf32, #tpu.memory_space<hbm>> -> memref<8x8x128xf32, #tpu.memory_space<hbm>>
          %dma_wait3A_364 = arith.constant 0 : i32
          %dma_wait3A_365 = arith.constant 0 : i32
          %dma_wait3A_366 = arith.constant 0 : i32
          %dma_wait3A_367 = tpu.memref_slice %arg9[%dma_wait3A_346, %dma_wait3A_364, %dma_wait3A_365, %dma_wait3A_366] : memref<4x8x8x129xf32, #tpu.memory_space<vmem>> -> memref<1x8x8x128xf32, #tpu.memory_space<vmem>>
          %dma_wait3A_368 = tpu.memref_squeeze %dma_wait3A_367 : memref<1x8x8x128xf32, #tpu.memory_space<vmem>> -> memref<8x8x128xf32, #tpu.memory_space<vmem>>
          tpu.wait_dma2 semaphore(%arg14 : memref<!tpu.dma_semaphore, #tpu.memory_space<semaphore_mem>>) src(%dma_wait3A_368 : memref<8x8x128xf32, #tpu.memory_space<vmem>>) dst(%dma_wait3A_363 : memref<8x8x128xf32, #tpu.memory_space<hbm>>)
          %dma_wait3A_369 = arith.constant 1 : i32
          %dma_wait3A_370 = arith.constant 0 : i32
          %dma_wait3A_371 = arith.constant 1 : i32
          %dma_wait3A_372 = arith.constant 0 : i32
          %dma_wait3A_373 = arith.constant 0 : i32
          %dma_wait3A_374 = arith.constant 0 : i32
          %dma_wait3A_375 = tpu.memref_slice %arg9[%dma_wait3A_369, %dma_wait3A_372, %dma_wait3A_373, %dma_wait3A_374] : memref<4x8x8x129xf32, #tpu.memory_space<vmem>> -> memref<1x8x8x128xf32, #tpu.memory_space<vmem>>
          %dma_wait3A_376 = tpu.memref_squeeze %dma_wait3A_375 : memref<1x8x8x128xf32, #tpu.memory_space<vmem>> -> memref<8x8x128xf32, #tpu.memory_space<vmem>>
          %dma_wait3A_377 = arith.constant 0 : i32
          %dma_wait3A_378 = arith.constant 0 : i32
          %dma_wait3A_379 = arith.constant 0 : i32
          %dma_wait3A_380 = tpu.memref_slice %arg4[%dma_wait3A_370, %dma_wait3A_371, %dma_wait3A_377, %dma_wait3A_378, %dma_wait3A_379] : memref<200x4x32x8x128xf32, #tpu.memory_space<hbm>> -> memref<1x1x8x8x128xf32, #tpu.memory_space<hbm>>
          %dma_wait3A_381 = tpu.memref_squeeze %dma_wait3A_380 : memref<1x1x8x8x128xf32, #tpu.memory_space<hbm>> -> memref<8x8x128xf32, #tpu.memory_space<hbm>>
          %dma_wait3A_382 = arith.constant 0 : i32
          %dma_wait3A_383 = arith.constant 0 : i32
          %dma_wait3A_384 = arith.constant 0 : i32
          %dma_wait3A_385 = tpu.memref_slice %arg4[%dma_wait3A_370, %dma_wait3A_371, %dma_wait3A_382, %dma_wait3A_383, %dma_wait3A_384] : memref<200x4x32x8x128xf32, #tpu.memory_space<hbm>> -> memref<1x1x8x8x128xf32, #tpu.memory_space<hbm>>
          %dma_wait3A_386 = tpu.memref_squeeze %dma_wait3A_385 : memref<1x1x8x8x128xf32, #tpu.memory_space<hbm>> -> memref<8x8x128xf32, #tpu.memory_space<hbm>>
          %dma_wait3A_387 = arith.constant 0 : i32
          %dma_wait3A_388 = arith.constant 0 : i32
          %dma_wait3A_389 = arith.constant 0 : i32
          %dma_wait3A_390 = tpu.memref_slice %arg9[%dma_wait3A_369, %dma_wait3A_387, %dma_wait3A_388, %dma_wait3A_389] : memref<4x8x8x129xf32, #tpu.memory_space<vmem>> -> memref<1x8x8x128xf32, #tpu.memory_space<vmem>>
          %dma_wait3A_391 = tpu.memref_squeeze %dma_wait3A_390 : memref<1x8x8x128xf32, #tpu.memory_space<vmem>> -> memref<8x8x128xf32, #tpu.memory_space<vmem>>
          tpu.wait_dma2 semaphore(%arg14 : memref<!tpu.dma_semaphore, #tpu.memory_space<semaphore_mem>>) src(%dma_wait3A_391 : memref<8x8x128xf32, #tpu.memory_space<vmem>>) dst(%dma_wait3A_386 : memref<8x8x128xf32, #tpu.memory_space<hbm>>)
          %dma_wait3A_392 = arith.constant 2 : i32
          %dma_wait3A_393 = arith.constant 0 : i32
          %dma_wait3A_394 = arith.constant 2 : i32
          %dma_wait3A_395 = arith.constant 0 : i32
          %dma_wait3A_396 = arith.constant 0 : i32
          %dma_wait3A_397 = arith.constant 0 : i32
          %dma_wait3A_398 = tpu.memref_slice %arg9[%dma_wait3A_392, %dma_wait3A_395, %dma_wait3A_396, %dma_wait3A_397] : memref<4x8x8x129xf32, #tpu.memory_space<vmem>> -> memref<1x8x8x128xf32, #tpu.memory_space<vmem>>
          %dma_wait3A_399 = tpu.memref_squeeze %dma_wait3A_398 : memref<1x8x8x128xf32, #tpu.memory_space<vmem>> -> memref<8x8x128xf32, #tpu.memory_space<vmem>>
          %dma_wait3A_400 = arith.constant 0 : i32
          %dma_wait3A_401 = arith.constant 0 : i32
          %dma_wait3A_402 = arith.constant 0 : i32
          %dma_wait3A_403 = tpu.memref_slice %arg4[%dma_wait3A_393, %dma_wait3A_394, %dma_wait3A_400, %dma_wait3A_401, %dma_wait3A_402] : memref<200x4x32x8x128xf32, #tpu.memory_space<hbm>> -> memref<1x1x8x8x128xf32, #tpu.memory_space<hbm>>
          %dma_wait3A_404 = tpu.memref_squeeze %dma_wait3A_403 : memref<1x1x8x8x128xf32, #tpu.memory_space<hbm>> -> memref<8x8x128xf32, #tpu.memory_space<hbm>>
          %dma_wait3A_405 = arith.constant 0 : i32
          %dma_wait3A_406 = arith.constant 0 : i32
          %dma_wait3A_407 = arith.constant 0 : i32
          %dma_wait3A_408 = tpu.memref_slice %arg4[%dma_wait3A_393, %dma_wait3A_394, %dma_wait3A_405, %dma_wait3A_406, %dma_wait3A_407] : memref<200x4x32x8x128xf32, #tpu.memory_space<hbm>> -> memref<1x1x8x8x128xf32, #tpu.memory_space<hbm>>
          %dma_wait3A_409 = tpu.memref_squeeze %dma_wait3A_408 : memref<1x1x8x8x128xf32, #tpu.memory_space<hbm>> -> memref<8x8x128xf32, #tpu.memory_space<hbm>>
          %dma_wait3A_410 = arith.constant 0 : i32
          %dma_wait3A_411 = arith.constant 0 : i32
          %dma_wait3A_412 = arith.constant 0 : i32
          %dma_wait3A_413 = tpu.memref_slice %arg9[%dma_wait3A_392, %dma_wait3A_410, %dma_wait3A_411, %dma_wait3A_412] : memref<4x8x8x129xf32, #tpu.memory_space<vmem>> -> memref<1x8x8x128xf32, #tpu.memory_space<vmem>>
          %dma_wait3A_414 = tpu.memref_squeeze %dma_wait3A_413 : memref<1x8x8x128xf32, #tpu.memory_space<vmem>> -> memref<8x8x128xf32, #tpu.memory_space<vmem>>
          tpu.wait_dma2 semaphore(%arg14 : memref<!tpu.dma_semaphore, #tpu.memory_space<semaphore_mem>>) src(%dma_wait3A_414 : memref<8x8x128xf32, #tpu.memory_space<vmem>>) dst(%dma_wait3A_409 : memref<8x8x128xf32, #tpu.memory_space<hbm>>)
          %dma_wait3A_415 = arith.constant 3 : i32
          %dma_wait3A_416 = arith.constant 0 : i32
          %dma_wait3A_417 = arith.constant 3 : i32
          %dma_wait3A_418 = arith.constant 0 : i32
          %dma_wait3A_419 = arith.constant 0 : i32
          %dma_wait3A_420 = arith.constant 0 : i32
          %dma_wait3A_421 = tpu.memref_slice %arg9[%dma_wait3A_415, %dma_wait3A_418, %dma_wait3A_419, %dma_wait3A_420] : memref<4x8x8x129xf32, #tpu.memory_space<vmem>> -> memref<1x8x8x128xf32, #tpu.memory_space<vmem>>
          %dma_wait3A_422 = tpu.memref_squeeze %dma_wait3A_421 : memref<1x8x8x128xf32, #tpu.memory_space<vmem>> -> memref<8x8x128xf32, #tpu.memory_space<vmem>>
          %dma_wait3A_423 = arith.constant 0 : i32
          %dma_wait3A_424 = arith.constant 0 : i32
          %dma_wait3A_425 = arith.constant 0 : i32
          %dma_wait3A_426 = tpu.memref_slice %arg4[%dma_wait3A_416, %dma_wait3A_417, %dma_wait3A_423, %dma_wait3A_424, %dma_wait3A_425] : memref<200x4x32x8x128xf32, #tpu.memory_space<hbm>> -> memref<1x1x8x8x128xf32, #tpu.memory_space<hbm>>
          %dma_wait3A_427 = tpu.memref_squeeze %dma_wait3A_426 : memref<1x1x8x8x128xf32, #tpu.memory_space<hbm>> -> memref<8x8x128xf32, #tpu.memory_space<hbm>>
          %dma_wait3A_428 = arith.constant 0 : i32
          %dma_wait3A_429 = arith.constant 0 : i32
          %dma_wait3A_430 = arith.constant 0 : i32
          %dma_wait3A_431 = tpu.memref_slice %arg4[%dma_wait3A_416, %dma_wait3A_417, %dma_wait3A_428, %dma_wait3A_429, %dma_wait3A_430] : memref<200x4x32x8x128xf32, #tpu.memory_space<hbm>> -> memref<1x1x8x8x128xf32, #tpu.memory_space<hbm>>
          %dma_wait3A_432 = tpu.memref_squeeze %dma_wait3A_431 : memref<1x1x8x8x128xf32, #tpu.memory_space<hbm>> -> memref<8x8x128xf32, #tpu.memory_space<hbm>>
          %dma_wait3A_433 = arith.constant 0 : i32
          %dma_wait3A_434 = arith.constant 0 : i32
          %dma_wait3A_435 = arith.constant 0 : i32
          %dma_wait3A_436 = tpu.memref_slice %arg9[%dma_wait3A_415, %dma_wait3A_433, %dma_wait3A_434, %dma_wait3A_435] : memref<4x8x8x129xf32, #tpu.memory_space<vmem>> -> memref<1x8x8x128xf32, #tpu.memory_space<vmem>>
          %dma_wait3A_437 = tpu.memref_squeeze %dma_wait3A_436 : memref<1x8x8x128xf32, #tpu.memory_space<vmem>> -> memref<8x8x128xf32, #tpu.memory_space<vmem>>
          tpu.wait_dma2 semaphore(%arg14 : memref<!tpu.dma_semaphore, #tpu.memory_space<semaphore_mem>>) src(%dma_wait3A_437 : memref<8x8x128xf32, #tpu.memory_space<vmem>>) dst(%dma_wait3A_432 : memref<8x8x128xf32, #tpu.memory_space<hbm>>)
        } else {
        }
        %parallel_loop3A = arith.constant 0 : i32
        %parallel_loop3A_208 = arith.constant 8 : i32
        %parallel_loop3A_209 = arith.constant 1 : i32
        scf.for %parallel_loop3A_346 = %parallel_loop3A to %parallel_loop3A_208 step %parallel_loop3A_209  : i32 {
          %parallel_loop3A_347 = vector.broadcast %parallel_loop3A_346 : i32 to vector<16xi32>
          %parallel_loop3A_348 = arith.muli %broadcast_in_dim3A_49, %parallel_loop3A_347 : vector<16xi32>
          %parallel_loop3A_349 = arith.constant 0 : i32
          %parallel_loop3A_350 = arith.constant 128 : i32
          %parallel_loop3A_351 = arith.constant 1 : i32
          scf.for %parallel_loop3A_352 = %parallel_loop3A_349 to %parallel_loop3A_350 step %parallel_loop3A_351  : i32 {
            %parallel_loop3A_353 = arith.constant 128 : i32
            %parallel_loop3A_354 = arith.muli %parallel_loop3A_346, %parallel_loop3A_353 : i32
            %parallel_loop3A_355 = arith.addi %parallel_loop3A_354, %parallel_loop3A_352 : i32
            %parallel_loop3A_356 = vector.broadcast %parallel_loop3A_352 : i32 to vector<16xi32>
            %parallel_loop3A_357 = arith.muli %broadcast_in_dim3A_49, %parallel_loop3A_356 : vector<16xi32>
            %parallel_loop3A_358 = arith.index_cast %parallel_loop3A_355 : i32 to index
            %parallel_loop3A_359 = arith.constant 0 : index
            %parallel_loop3A_360 = tpu.vector_load %arg7[%parallel_loop3A_358, %parallel_loop3A_359] {strides = array<i32>} : memref<1024x32xf32, #tpu.memory_space<vmem>>, vector<16xf32>,
            %parallel_loop3A_361 = arith.index_cast %parallel_loop3A_355 : i32 to index
            %parallel_loop3A_362 = arith.constant 16 : index
            %parallel_loop3A_363 = tpu.vector_load %arg7[%parallel_loop3A_361, %parallel_loop3A_362] {strides = array<i32>} : memref<1024x32xf32, #tpu.memory_space<vmem>>, vector<16xf32>,
            tpu.vector_store_idx %arg9[%select_n3A, %parallel_loop3A_348, %select_n3A_45, %parallel_loop3A_357], %parallel_loop3A_360 : memref<4x8x8x129xf32, #tpu.memory_space<vmem>>[vector<16xi32>, vector<16xi32>, vector<16xi32>, vector<16xi32>], vector<16xf32>,
            tpu.vector_store_idx %arg9[%add3A_48, %parallel_loop3A_348, %select_n3A_45, %parallel_loop3A_357], %parallel_loop3A_363 : memref<4x8x8x129xf32, #tpu.memory_space<vmem>>[vector<16xi32>, vector<16xi32>, vector<16xi32>, vector<16xi32>], vector<16xf32>,
          } {sc.loop_unroll_factor = 4 : i64, sc.parallel_access}
        } {sc.loop_unroll_factor = 1 : i64, sc.parallel_access}
        %add3A_210 = arith.addi %mul3A_2, %add3A_174 : i32
        %jit3A_211 = arith.constant 4 : i32
        %div3A_212 = arith.divsi %add3A_210, %jit3A_211 : i32
        %sign3A_213 = arith.constant 0 : i32
        %sign3A_214 = arith.cmpi sgt, %add3A_210, %sign3A_213 : i32
        %sign3A_215 = arith.extui %sign3A_214 : i1 to i32
        %sign3A_216 = arith.constant 0 : i32
        %sign3A_217 = arith.cmpi slt, %add3A_210, %sign3A_216 : i32
        %sign3A_218 = arith.extui %sign3A_217 : i1 to i32
        %sign3A_219 = arith.subi %sign3A_215, %sign3A_218 : i32
        %sign3A_220 = arith.constant 0 : i32
        %sign3A_221 = arith.cmpi sgt, %jit3A_211, %sign3A_220 : i32
        %sign3A_222 = arith.extui %sign3A_221 : i1 to i32
        %sign3A_223 = arith.constant 0 : i32
        %sign3A_224 = arith.cmpi slt, %jit3A_211, %sign3A_223 : i32
        %sign3A_225 = arith.extui %sign3A_224 : i1 to i32
        %sign3A_226 = arith.subi %sign3A_222, %sign3A_225 : i32
        %ne3A_227 = arith.cmpi ne, %sign3A_219, %sign3A_226 : i32
        %rem3A_228 = arith.remsi %add3A_210, %jit3A_211 : i32
        %ne3A_229 = arith.constant 0 : i32
        %ne3A_230 = arith.cmpi ne, %rem3A_228, %ne3A_229 : i32
        %and3A_231 = arith.andi %ne3A_227, %ne3A_230 : i1
        %sub3A_232 = arith.constant 1 : i32
        %sub3A_233 = arith.subi %div3A_212, %sub3A_232 : i32
        %select_n3A_234 = arith.select %and3A_231, %sub3A_233, %div3A_212 : i32
        %jit3A_235 = arith.constant 4 : i32
        %eq3A_236 = arith.constant 0 : i32
        %eq3A_237 = arith.cmpi eq, %jit3A_235, %eq3A_236 : i32
        %jit3A_238 = arith.constant 1 : i32
        %select_n3A_239 = arith.select %eq3A_237, %jit3A_238, %jit3A_235 : i32
        %rem3A_240 = arith.remsi %add3A_210, %select_n3A_239 : i32
        %ne3A_241 = arith.constant 0 : i32
        %ne3A_242 = arith.cmpi ne, %rem3A_240, %ne3A_241 : i32
        %lt3A_243 = arith.constant 0 : i32
        %lt3A_244 = arith.cmpi slt, %rem3A_240, %lt3A_243 : i32
        %lt3A_245 = arith.constant 0 : i32
        %lt3A_246 = arith.cmpi slt, %select_n3A_239, %lt3A_245 : i32
        %ne3A_247 = arith.xori %lt3A_244, %lt3A_246 : i1
        %and3A_248 = arith.andi %ne3A_247, %ne3A_242 : i1
        %add3A_249 = arith.addi %rem3A_240, %select_n3A_239 : i32
        %select_n3A_250 = arith.select %and3A_248, %add3A_249, %rem3A_240 : i32
        %mul3A_251 = arith.constant 8 : i32
        %mul3A_252 = arith.muli %select_n3A_250, %mul3A_251 : i32
        %dma_start3A_253 = arith.constant 0 : i32
        %dma_start3A_254 = arith.constant 0 : i32
        %dma_start3A_255 = arith.constant 0 : i32
        %dma_start3A_256 = arith.constant 0 : i32
        %dma_start3A_257 = arith.constant 0 : i32
        %dma_start3A_258 = tpu.memref_slice %arg9[%dma_start3A_253, %dma_start3A_255, %dma_start3A_256, %dma_start3A_257] : memref<4x8x8x129xf32, #tpu.memory_space<vmem>> -> memref<1x8x8x128xf32, #tpu.memory_space<vmem>>
        %dma_start3A_259 = tpu.memref_squeeze %dma_start3A_258 : memref<1x8x8x128xf32, #tpu.memory_space<vmem>> -> memref<8x8x128xf32, #tpu.memory_space<vmem>>
        %dma_start3A_260 = arith.constant 0 : i32
        %dma_start3A_261 = arith.constant 0 : i32
        %dma_start3A_262 = tpu.memref_slice %arg4[%select_n3A_234, %dma_start3A_254, %mul3A_252, %dma_start3A_260, %dma_start3A_261] : memref<200x4x32x8x128xf32, #tpu.memory_space<hbm>> -> memref<1x1x8x8x128xf32, #tpu.memory_space<hbm>>
        %dma_start3A_263 = tpu.memref_squeeze %dma_start3A_262 : memref<1x1x8x8x128xf32, #tpu.memory_space<hbm>> -> memref<8x8x128xf32, #tpu.memory_space<hbm>>
        %dma_start3A_264 = arith.constant 0 : i32
        %dma_start3A_265 = arith.constant 0 : i32
        %dma_start3A_266 = tpu.memref_slice %arg4[%select_n3A_234, %dma_start3A_254, %mul3A_252, %dma_start3A_264, %dma_start3A_265] : memref<200x4x32x8x128xf32, #tpu.memory_space<hbm>> -> memref<1x1x8x8x128xf32, #tpu.memory_space<hbm>>
        %dma_start3A_267 = tpu.memref_squeeze %dma_start3A_266 : memref<1x1x8x8x128xf32, #tpu.memory_space<hbm>> -> memref<8x8x128xf32, #tpu.memory_space<hbm>>
        %dma_start3A_268 = arith.constant 0 : i32
        %dma_start3A_269 = arith.constant 0 : i32
        %dma_start3A_270 = arith.constant 0 : i32
        %dma_start3A_271 = tpu.memref_slice %arg9[%dma_start3A_253, %dma_start3A_268, %dma_start3A_269, %dma_start3A_270] : memref<4x8x8x129xf32, #tpu.memory_space<vmem>> -> memref<1x8x8x128xf32, #tpu.memory_space<vmem>>
        %dma_start3A_272 = tpu.memref_squeeze %dma_start3A_271 : memref<1x8x8x128xf32, #tpu.memory_space<vmem>> -> memref<8x8x128xf32, #tpu.memory_space<vmem>>
        tpu.enqueue_dma source(%dma_start3A_272 : memref<8x8x128xf32, #tpu.memory_space<vmem>>) target(%dma_start3A_267 : memref<8x8x128xf32, #tpu.memory_space<hbm>>) target_semaphore(%arg14 : memref<!tpu.dma_semaphore, #tpu.memory_space<semaphore_mem>>)
        %mul3A_273 = arith.constant 8 : i32
        %mul3A_274 = arith.muli %select_n3A_250, %mul3A_273 : i32
        %dma_start3A_275 = arith.constant 1 : i32
        %dma_start3A_276 = arith.constant 1 : i32
        %dma_start3A_277 = arith.constant 0 : i32
        %dma_start3A_278 = arith.constant 0 : i32
        %dma_start3A_279 = arith.constant 0 : i32
        %dma_start3A_280 = tpu.memref_slice %arg9[%dma_start3A_275, %dma_start3A_277, %dma_start3A_278, %dma_start3A_279] : memref<4x8x8x129xf32, #tpu.memory_space<vmem>> -> memref<1x8x8x128xf32, #tpu.memory_space<vmem>>
        %dma_start3A_281 = tpu.memref_squeeze %dma_start3A_280 : memref<1x8x8x128xf32, #tpu.memory_space<vmem>> -> memref<8x8x128xf32, #tpu.memory_space<vmem>>
        %dma_start3A_282 = arith.constant 0 : i32
        %dma_start3A_283 = arith.constant 0 : i32
        %dma_start3A_284 = tpu.memref_slice %arg4[%select_n3A_234, %dma_start3A_276, %mul3A_274, %dma_start3A_282, %dma_start3A_283] : memref<200x4x32x8x128xf32, #tpu.memory_space<hbm>> -> memref<1x1x8x8x128xf32, #tpu.memory_space<hbm>>
        %dma_start3A_285 = tpu.memref_squeeze %dma_start3A_284 : memref<1x1x8x8x128xf32, #tpu.memory_space<hbm>> -> memref<8x8x128xf32, #tpu.memory_space<hbm>>
        %dma_start3A_286 = arith.constant 0 : i32
        %dma_start3A_287 = arith.constant 0 : i32
        %dma_start3A_288 = tpu.memref_slice %arg4[%select_n3A_234, %dma_start3A_276, %mul3A_274, %dma_start3A_286, %dma_start3A_287] : memref<200x4x32x8x128xf32, #tpu.memory_space<hbm>> -> memref<1x1x8x8x128xf32, #tpu.memory_space<hbm>>
        %dma_start3A_289 = tpu.memref_squeeze %dma_start3A_288 : memref<1x1x8x8x128xf32, #tpu.memory_space<hbm>> -> memref<8x8x128xf32, #tpu.memory_space<hbm>>
        %dma_start3A_290 = arith.constant 0 : i32
        %dma_start3A_291 = arith.constant 0 : i32
        %dma_start3A_292 = arith.constant 0 : i32
        %dma_start3A_293 = tpu.memref_slice %arg9[%dma_start3A_275, %dma_start3A_290, %dma_start3A_291, %dma_start3A_292] : memref<4x8x8x129xf32, #tpu.memory_space<vmem>> -> memref<1x8x8x128xf32, #tpu.memory_space<vmem>>
        %dma_start3A_294 = tpu.memref_squeeze %dma_start3A_293 : memref<1x8x8x128xf32, #tpu.memory_space<vmem>> -> memref<8x8x128xf32, #tpu.memory_space<vmem>>
        tpu.enqueue_dma source(%dma_start3A_294 : memref<8x8x128xf32, #tpu.memory_space<vmem>>) target(%dma_start3A_289 : memref<8x8x128xf32, #tpu.memory_space<hbm>>) target_semaphore(%arg14 : memref<!tpu.dma_semaphore, #tpu.memory_space<semaphore_mem>>)
        %mul3A_295 = arith.constant 8 : i32
        %mul3A_296 = arith.muli %select_n3A_250, %mul3A_295 : i32
        %dma_start3A_297 = arith.constant 2 : i32
        %dma_start3A_298 = arith.constant 2 : i32
        %dma_start3A_299 = arith.constant 0 : i32
        %dma_start3A_300 = arith.constant 0 : i32
        %dma_start3A_301 = arith.constant 0 : i32
        %dma_start3A_302 = tpu.memref_slice %arg9[%dma_start3A_297, %dma_start3A_299, %dma_start3A_300, %dma_start3A_301] : memref<4x8x8x129xf32, #tpu.memory_space<vmem>> -> memref<1x8x8x128xf32, #tpu.memory_space<vmem>>
        %dma_start3A_303 = tpu.memref_squeeze %dma_start3A_302 : memref<1x8x8x128xf32, #tpu.memory_space<vmem>> -> memref<8x8x128xf32, #tpu.memory_space<vmem>>
        %dma_start3A_304 = arith.constant 0 : i32
        %dma_start3A_305 = arith.constant 0 : i32
        %dma_start3A_306 = tpu.memref_slice %arg4[%select_n3A_234, %dma_start3A_298, %mul3A_296, %dma_start3A_304, %dma_start3A_305] : memref<200x4x32x8x128xf32, #tpu.memory_space<hbm>> -> memref<1x1x8x8x128xf32, #tpu.memory_space<hbm>>
        %dma_start3A_307 = tpu.memref_squeeze %dma_start3A_306 : memref<1x1x8x8x128xf32, #tpu.memory_space<hbm>> -> memref<8x8x128xf32, #tpu.memory_space<hbm>>
        %dma_start3A_308 = arith.constant 0 : i32
        %dma_start3A_309 = arith.constant 0 : i32
        %dma_start3A_310 = tpu.memref_slice %arg4[%select_n3A_234, %dma_start3A_298, %mul3A_296, %dma_start3A_308, %dma_start3A_309] : memref<200x4x32x8x128xf32, #tpu.memory_space<hbm>> -> memref<1x1x8x8x128xf32, #tpu.memory_space<hbm>>
        %dma_start3A_311 = tpu.memref_squeeze %dma_start3A_310 : memref<1x1x8x8x128xf32, #tpu.memory_space<hbm>> -> memref<8x8x128xf32, #tpu.memory_space<hbm>>
        %dma_start3A_312 = arith.constant 0 : i32
        %dma_start3A_313 = arith.constant 0 : i32
        %dma_start3A_314 = arith.constant 0 : i32
        %dma_start3A_315 = tpu.memref_slice %arg9[%dma_start3A_297, %dma_start3A_312, %dma_start3A_313, %dma_start3A_314] : memref<4x8x8x129xf32, #tpu.memory_space<vmem>> -> memref<1x8x8x128xf32, #tpu.memory_space<vmem>>
        %dma_start3A_316 = tpu.memref_squeeze %dma_start3A_315 : memref<1x8x8x128xf32, #tpu.memory_space<vmem>> -> memref<8x8x128xf32, #tpu.memory_space<vmem>>
        tpu.enqueue_dma source(%dma_start3A_316 : memref<8x8x128xf32, #tpu.memory_space<vmem>>) target(%dma_start3A_311 : memref<8x8x128xf32, #tpu.memory_space<hbm>>) target_semaphore(%arg14 : memref<!tpu.dma_semaphore, #tpu.memory_space<semaphore_mem>>)
        %mul3A_317 = arith.constant 8 : i32
        %mul3A_318 = arith.muli %select_n3A_250, %mul3A_317 : i32
        %dma_start3A_319 = arith.constant 3 : i32
        %dma_start3A_320 = arith.constant 3 : i32
        %dma_start3A_321 = arith.constant 0 : i32
        %dma_start3A_322 = arith.constant 0 : i32
        %dma_start3A_323 = arith.constant 0 : i32
        %dma_start3A_324 = tpu.memref_slice %arg9[%dma_start3A_319, %dma_start3A_321, %dma_start3A_322, %dma_start3A_323] : memref<4x8x8x129xf32, #tpu.memory_space<vmem>> -> memref<1x8x8x128xf32, #tpu.memory_space<vmem>>
        %dma_start3A_325 = tpu.memref_squeeze %dma_start3A_324 : memref<1x8x8x128xf32, #tpu.memory_space<vmem>> -> memref<8x8x128xf32, #tpu.memory_space<vmem>>
        %dma_start3A_326 = arith.constant 0 : i32
        %dma_start3A_327 = arith.constant 0 : i32
        %dma_start3A_328 = tpu.memref_slice %arg4[%select_n3A_234, %dma_start3A_320, %mul3A_318, %dma_start3A_326, %dma_start3A_327] : memref<200x4x32x8x128xf32, #tpu.memory_space<hbm>> -> memref<1x1x8x8x128xf32, #tpu.memory_space<hbm>>
        %dma_start3A_329 = tpu.memref_squeeze %dma_start3A_328 : memref<1x1x8x8x128xf32, #tpu.memory_space<hbm>> -> memref<8x8x128xf32, #tpu.memory_space<hbm>>
        %dma_start3A_330 = arith.constant 0 : i32
        %dma_start3A_331 = arith.constant 0 : i32
        %dma_start3A_332 = tpu.memref_slice %arg4[%select_n3A_234, %dma_start3A_320, %mul3A_318, %dma_start3A_330, %dma_start3A_331] : memref<200x4x32x8x128xf32, #tpu.memory_space<hbm>> -> memref<1x1x8x8x128xf32, #tpu.memory_space<hbm>>
        %dma_start3A_333 = tpu.memref_squeeze %dma_start3A_332 : memref<1x1x8x8x128xf32, #tpu.memory_space<hbm>> -> memref<8x8x128xf32, #tpu.memory_space<hbm>>
        %dma_start3A_334 = arith.constant 0 : i32
        %dma_start3A_335 = arith.constant 0 : i32
        %dma_start3A_336 = arith.constant 0 : i32
        %dma_start3A_337 = tpu.memref_slice %arg9[%dma_start3A_319, %dma_start3A_334, %dma_start3A_335, %dma_start3A_336] : memref<4x8x8x129xf32, #tpu.memory_space<vmem>> -> memref<1x8x8x128xf32, #tpu.memory_space<vmem>>
        %dma_start3A_338 = tpu.memref_squeeze %dma_start3A_337 : memref<1x8x8x128xf32, #tpu.memory_space<vmem>> -> memref<8x8x128xf32, #tpu.memory_space<vmem>>
        tpu.enqueue_dma source(%dma_start3A_338 : memref<8x8x128xf32, #tpu.memory_space<vmem>>) target(%dma_start3A_333 : memref<8x8x128xf32, #tpu.memory_space<hbm>>) target_semaphore(%arg14 : memref<!tpu.dma_semaphore, #tpu.memory_space<semaphore_mem>>)
        %add3A_339 = arith.constant 2 : i32
        %add3A_340 = arith.addi %add3A_174, %add3A_339 : i32
        %lt3A_341 = arith.constant 25 : i32
        %lt3A_342 = arith.cmpi slt, %add3A_340, %lt3A_341 : i32
        %convert_element_type3A_343 = arith.extui %lt3A_342 : i1 to i32
        %cond3A_344 = arith.constant 0 : i32
        %cond3A_345 = arith.cmpi ne, %convert_element_type3A_343, %cond3A_344 : i32
        scf.if %cond3A_345 {
          %add3A_346 = arith.constant 2 : i32
          %add3A_347 = arith.addi %add3A_174, %add3A_346 : i32
          %add3A_348 = arith.addi %mul3A_2, %add3A_347 : i32
          %mul3A_349 = arith.constant 1024 : i32
          %mul3A_350 = arith.muli %add3A_348, %mul3A_349 : i32
          %dma_start3A_351 = tpu.memref_slice %arg2[%mul3A_350] : memref<819200xi32, #tpu.memory_space<hbm>> -> memref<1024xi32, #tpu.memory_space<hbm>>
          %dma_start3A_352 = tpu.memref_slice %arg2[%mul3A_350] : memref<819200xi32, #tpu.memory_space<hbm>> -> memref<1024xi32, #tpu.memory_space<hbm>>
          tpu.enqueue_dma source(%dma_start3A_352 : memref<1024xi32, #tpu.memory_space<hbm>>) target(%arg5 : memref<1024xi32, #tpu.memory_space<vmem>>) target_semaphore(%arg10 : memref<!tpu.dma_semaphore, #tpu.memory_space<semaphore_mem>>)
        } else {
        }
      } else {
      }
      %mul3A_178 = arith.constant 2 : i32
      %mul3A_179 = arith.muli %scan3A_170, %mul3A_178 : i32
      %add3A_180 = arith.constant 1 : i32
      %add3A_181 = arith.addi %mul3A_179, %add3A_180 : i32
      %lt3A_182 = arith.constant 25 : i32
      %lt3A_183 = arith.cmpi slt, %add3A_181, %lt3A_182 : i32
      %convert_element_type3A_184 = arith.extui %lt3A_183 : i1 to i32
      %cond3A_185 = arith.constant 0 : i32
      %cond3A_186 = arith.cmpi ne, %convert_element_type3A_184, %cond3A_185 : i32
      scf.if %cond3A_186 {
        %add3A_187 = arith.constant 1 : i32
        %add3A_188 = arith.addi %add3A_181, %add3A_187 : i32
        %lt3A_189 = arith.constant 25 : i32
        %lt3A_190 = arith.cmpi slt, %add3A_188, %lt3A_189 : i32
        %convert_element_type3A_191 = arith.extui %lt3A_190 : i1 to i32
        %cond3A_192 = arith.constant 0 : i32
        %cond3A_193 = arith.cmpi ne, %convert_element_type3A_191, %cond3A_192 : i32
        scf.if %cond3A_193 {
          %dma_wait3A_346 = arith.constant 0 : i32
          %dma_wait3A_347 = tpu.memref_slice %arg2[%dma_wait3A_346] : memref<819200xi32, #tpu.memory_space<hbm>> -> memref<1024xi32, #tpu.memory_space<hbm>>
          %dma_wait3A_348 = arith.constant 0 : i32
          %dma_wait3A_349 = tpu.memref_slice %arg2[%dma_wait3A_348] : memref<819200xi32, #tpu.memory_space<hbm>> -> memref<1024xi32, #tpu.memory_space<hbm>>
          tpu.wait_dma2 semaphore(%arg10 : memref<!tpu.dma_semaphore, #tpu.memory_space<semaphore_mem>>) src(%dma_wait3A_349 : memref<1024xi32, #tpu.memory_space<hbm>>) dst(%arg5 : memref<1024xi32, #tpu.memory_space<vmem>>)
          %scan3A_350 = arith.constant 0 : i32
          %scan3A_351 = arith.constant 0 : i32
          %scan3A_352 = arith.constant 64 : i32
          %scan3A_353 = arith.addi %scan3A_351, %scan3A_352 : i32
          %scan3A_354 = arith.constant 1 : i32
          scf.for %scan3A_356 = %scan3A_351 to %scan3A_353 step %scan3A_354  : i32 {
            %mul3A_357 = arith.constant 16 : i32
            %mul3A_358 = arith.muli %scan3A_356, %mul3A_357 : i32
            %get3A = arith.index_cast %mul3A_358 : i32 to index
            %get3A_359 = tpu.vector_load %arg5[%get3A] {strides = array<i32>} : memref<1024xi32, #tpu.memory_space<vmem>>, vector<16xi32>,
            %eq3A_360 = arith.constant -100 : i32
            %eq3A_361 = vector.broadcast %eq3A_360 : i32 to vector<16xi32>
            %eq3A_362 = arith.cmpi eq, %get3A_359, %eq3A_361 : vector<16xi32>
            %jit3A_363 = arith.constant 1 : i32
            %broadcast_in_dim3A_364 = vector.broadcast %jit3A_363 : i32 to vector<16xi32>
            %select_n3A_365 = arith.select %eq3A_362, %broadcast_in_dim3A_364, %get3A_359 : vector<16xi1>, vector<16xi32>
            %and3A_366 = arith.constant -2048 : i32
            %and3A_367 = vector.broadcast %and3A_366 : i32 to vector<16xi32>
            %and3A_368 = arith.andi %select_n3A_365, %and3A_367 : vector<16xi32>
            %and3A_369 = arith.constant 511 : i32
            %and3A_370 = vector.broadcast %and3A_369 : i32 to vector<16xi32>
            %and3A_371 = arith.andi %select_n3A_365, %and3A_370 : vector<16xi32>
            %shift_left3A = arith.constant 2 : i32
            %shift_left3A_372 = vector.broadcast %shift_left3A : i32 to vector<16xi32>
            %shift_left3A_373 = arith.shli %and3A_371, %shift_left3A_372 : vector<16xi32>
            %add3A_374 = arith.addi %and3A_368, %shift_left3A_373 : vector<16xi32>
            %shift_right_arithmetic3A = arith.constant 9 : i32
            %shift_right_arithmetic3A_375 = vector.broadcast %shift_right_arithmetic3A : i32 to vector<16xi32>
            %shift_right_arithmetic3A_376 = arith.shrsi %select_n3A_365, %shift_right_arithmetic3A_375 : vector<16xi32>
            %and3A_377 = arith.constant 3 : i32
            %and3A_378 = vector.broadcast %and3A_377 : i32 to vector<16xi32>
            %and3A_379 = arith.andi %shift_right_arithmetic3A_376, %and3A_378 : vector<16xi32>
            %add3A_380 = arith.addi %add3A_374, %and3A_379 : vector<16xi32>
            %mul3A_381 = arith.constant 16 : i32
            %mul3A_382 = arith.muli %scan3A_356, %mul3A_381 : i32
            %swap3A = arith.index_cast %mul3A_382 : i32 to index
            %swap3A_383 = tpu.vector_load %arg5[%swap3A] {strides = array<i32>} : memref<1024xi32, #tpu.memory_space<vmem>>, vector<16xi32>,
            tpu.vector_store %arg5[%swap3A], %add3A_380 {strides = array<i32>} : memref<1024xi32, #tpu.memory_space<vmem>>, vector<16xi32>,
          }
          %scan3A_355 = arith.constant 64 : i32
        } else {
        }
        %dma_wait3A_194 = arith.constant 0 : i32
        %dma_wait3A_195 = arith.constant 0 : i32
        %dma_wait3A_196 = tpu.memref_slice %arg3[%dma_wait3A_194, %dma_wait3A_195] : memref<1001472x32xf32, #tpu.memory_space<hbm>> -> memref<1001472x32xf32, #tpu.memory_space<hbm>>
        tpu.wait_indirect_dma semaphore(%arg13 : memref<!tpu.dma_semaphore, #tpu.memory_space<semaphore_mem>>) src(%dma_wait3A_196 : memref<1001472x32xf32, #tpu.memory_space<hbm>>) dst(%arg8 : memref<1024x32xf32, #tpu.memory_space<vmem>>)
        %add3A_197 = arith.constant 1 : i32
        %add3A_198 = arith.addi %add3A_181, %add3A_197 : i32
        %lt3A_199 = arith.constant 25 : i32
        %lt3A_200 = arith.cmpi slt, %add3A_198, %lt3A_199 : i32
        %convert_element_type3A_201 = arith.extui %lt3A_200 : i1 to i32
        %cond3A_202 = arith.constant 0 : i32
        %cond3A_203 = arith.cmpi ne, %convert_element_type3A_201, %cond3A_202 : i32
        scf.if %cond3A_203 {
          %dma_start3A_346 = arith.constant 0 : i32
          %dma_start3A_347 = arith.constant 0 : i32
          %dma_start3A_348 = tpu.memref_slice %arg3[%dma_start3A_346, %dma_start3A_347] : memref<1001472x32xf32, #tpu.memory_space<hbm>> -> memref<1001472x32xf32, #tpu.memory_space<hbm>>
          tpu.enqueue_indirect_dma source(%dma_start3A_348 : memref<1001472x32xf32, #tpu.memory_space<hbm>>) target(%arg7 : memref<1024x32xf32, #tpu.memory_space<vmem>>) offsets(%arg5 : memref<1024xi32, #tpu.memory_space<vmem>>) semaphore(%arg12 : memref<!tpu.dma_semaphore, #tpu.memory_space<semaphore_mem>>)
        } else {
        }
        %ge3A = arith.constant 1 : i32
        %ge3A_204 = arith.cmpi sge, %add3A_181, %ge3A : i32
        %convert_element_type3A_205 = arith.extui %ge3A_204 : i1 to i32
        %cond3A_206 = arith.constant 0 : i32
        %cond3A_207 = arith.cmpi ne, %convert_element_type3A_205, %cond3A_206 : i32
        scf.if %cond3A_207 {
          %dma_wait3A_346 = arith.constant 0 : i32
          %dma_wait3A_347 = arith.constant 0 : i32
          %dma_wait3A_348 = arith.constant 0 : i32
          %dma_wait3A_349 = arith.constant 0 : i32
          %dma_wait3A_350 = arith.constant 0 : i32
          %dma_wait3A_351 = arith.constant 0 : i32
          %dma_wait3A_352 = tpu.memref_slice %arg9[%dma_wait3A_346, %dma_wait3A_349, %dma_wait3A_350, %dma_wait3A_351] : memref<4x8x8x129xf32, #tpu.memory_space<vmem>> -> memref<1x8x8x128xf32, #tpu.memory_space<vmem>>
          %dma_wait3A_353 = tpu.memref_squeeze %dma_wait3A_352 : memref<1x8x8x128xf32, #tpu.memory_space<vmem>> -> memref<8x8x128xf32, #tpu.memory_space<vmem>>
          %dma_wait3A_354 = arith.constant 0 : i32
          %dma_wait3A_355 = arith.constant 0 : i32
          %dma_wait3A_356 = arith.constant 0 : i32
          %dma_wait3A_357 = tpu.memref_slice %arg4[%dma_wait3A_347, %dma_wait3A_348, %dma_wait3A_354, %dma_wait3A_355, %dma_wait3A_356] : memref<200x4x32x8x128xf32, #tpu.memory_space<hbm>> -> memref<1x1x8x8x128xf32, #tpu.memory_space<hbm>>
          %dma_wait3A_358 = tpu.memref_squeeze %dma_wait3A_357 : memref<1x1x8x8x128xf32, #tpu.memory_space<hbm>> -> memref<8x8x128xf32, #tpu.memory_space<hbm>>
          %dma_wait3A_359 = arith.constant 0 : i32
          %dma_wait3A_360 = arith.constant 0 : i32
          %dma_wait3A_361 = arith.constant 0 : i32
          %dma_wait3A_362 = tpu.memref_slice %arg4[%dma_wait3A_347, %dma_wait3A_348, %dma_wait3A_359, %dma_wait3A_360, %dma_wait3A_361] : memref<200x4x32x8x128xf32, #tpu.memory_space<hbm>> -> memref<1x1x8x8x128xf32, #tpu.memory_space<hbm>>
          %dma_wait3A_363 = tpu.memref_squeeze %dma_wait3A_362 : memref<1x1x8x8x128xf32, #tpu.memory_space<hbm>> -> memref<8x8x128xf32, #tpu.memory_space<hbm>>
          %dma_wait3A_364 = arith.constant 0 : i32
          %dma_wait3A_365 = arith.constant 0 : i32
          %dma_wait3A_366 = arith.constant 0 : i32
          %dma_wait3A_367 = tpu.memref_slice %arg9[%dma_wait3A_346, %dma_wait3A_364, %dma_wait3A_365, %dma_wait3A_366] : memref<4x8x8x129xf32, #tpu.memory_space<vmem>> -> memref<1x8x8x128xf32, #tpu.memory_space<vmem>>
          %dma_wait3A_368 = tpu.memref_squeeze %dma_wait3A_367 : memref<1x8x8x128xf32, #tpu.memory_space<vmem>> -> memref<8x8x128xf32, #tpu.memory_space<vmem>>
          tpu.wait_dma2 semaphore(%arg14 : memref<!tpu.dma_semaphore, #tpu.memory_space<semaphore_mem>>) src(%dma_wait3A_368 : memref<8x8x128xf32, #tpu.memory_space<vmem>>) dst(%dma_wait3A_363 : memref<8x8x128xf32, #tpu.memory_space<hbm>>)
          %dma_wait3A_369 = arith.constant 1 : i32
          %dma_wait3A_370 = arith.constant 0 : i32
          %dma_wait3A_371 = arith.constant 1 : i32
          %dma_wait3A_372 = arith.constant 0 : i32
          %dma_wait3A_373 = arith.constant 0 : i32
          %dma_wait3A_374 = arith.constant 0 : i32
          %dma_wait3A_375 = tpu.memref_slice %arg9[%dma_wait3A_369, %dma_wait3A_372, %dma_wait3A_373, %dma_wait3A_374] : memref<4x8x8x129xf32, #tpu.memory_space<vmem>> -> memref<1x8x8x128xf32, #tpu.memory_space<vmem>>
          %dma_wait3A_376 = tpu.memref_squeeze %dma_wait3A_375 : memref<1x8x8x128xf32, #tpu.memory_space<vmem>> -> memref<8x8x128xf32, #tpu.memory_space<vmem>>
          %dma_wait3A_377 = arith.constant 0 : i32
          %dma_wait3A_378 = arith.constant 0 : i32
          %dma_wait3A_379 = arith.constant 0 : i32
          %dma_wait3A_380 = tpu.memref_slice %arg4[%dma_wait3A_370, %dma_wait3A_371, %dma_wait3A_377, %dma_wait3A_378, %dma_wait3A_379] : memref<200x4x32x8x128xf32, #tpu.memory_space<hbm>> -> memref<1x1x8x8x128xf32, #tpu.memory_space<hbm>>
          %dma_wait3A_381 = tpu.memref_squeeze %dma_wait3A_380 : memref<1x1x8x8x128xf32, #tpu.memory_space<hbm>> -> memref<8x8x128xf32, #tpu.memory_space<hbm>>
          %dma_wait3A_382 = arith.constant 0 : i32
          %dma_wait3A_383 = arith.constant 0 : i32
          %dma_wait3A_384 = arith.constant 0 : i32
          %dma_wait3A_385 = tpu.memref_slice %arg4[%dma_wait3A_370, %dma_wait3A_371, %dma_wait3A_382, %dma_wait3A_383, %dma_wait3A_384] : memref<200x4x32x8x128xf32, #tpu.memory_space<hbm>> -> memref<1x1x8x8x128xf32, #tpu.memory_space<hbm>>
          %dma_wait3A_386 = tpu.memref_squeeze %dma_wait3A_385 : memref<1x1x8x8x128xf32, #tpu.memory_space<hbm>> -> memref<8x8x128xf32, #tpu.memory_space<hbm>>
          %dma_wait3A_387 = arith.constant 0 : i32
          %dma_wait3A_388 = arith.constant 0 : i32
          %dma_wait3A_389 = arith.constant 0 : i32
          %dma_wait3A_390 = tpu.memref_slice %arg9[%dma_wait3A_369, %dma_wait3A_387, %dma_wait3A_388, %dma_wait3A_389] : memref<4x8x8x129xf32, #tpu.memory_space<vmem>> -> memref<1x8x8x128xf32, #tpu.memory_space<vmem>>
          %dma_wait3A_391 = tpu.memref_squeeze %dma_wait3A_390 : memref<1x8x8x128xf32, #tpu.memory_space<vmem>> -> memref<8x8x128xf32, #tpu.memory_space<vmem>>
          tpu.wait_dma2 semaphore(%arg14 : memref<!tpu.dma_semaphore, #tpu.memory_space<semaphore_mem>>) src(%dma_wait3A_391 : memref<8x8x128xf32, #tpu.memory_space<vmem>>) dst(%dma_wait3A_386 : memref<8x8x128xf32, #tpu.memory_space<hbm>>)
          %dma_wait3A_392 = arith.constant 2 : i32
          %dma_wait3A_393 = arith.constant 0 : i32
          %dma_wait3A_394 = arith.constant 2 : i32
          %dma_wait3A_395 = arith.constant 0 : i32
          %dma_wait3A_396 = arith.constant 0 : i32
          %dma_wait3A_397 = arith.constant 0 : i32
          %dma_wait3A_398 = tpu.memref_slice %arg9[%dma_wait3A_392, %dma_wait3A_395, %dma_wait3A_396, %dma_wait3A_397] : memref<4x8x8x129xf32, #tpu.memory_space<vmem>> -> memref<1x8x8x128xf32, #tpu.memory_space<vmem>>
          %dma_wait3A_399 = tpu.memref_squeeze %dma_wait3A_398 : memref<1x8x8x128xf32, #tpu.memory_space<vmem>> -> memref<8x8x128xf32, #tpu.memory_space<vmem>>
          %dma_wait3A_400 = arith.constant 0 : i32
          %dma_wait3A_401 = arith.constant 0 : i32
          %dma_wait3A_402 = arith.constant 0 : i32
          %dma_wait3A_403 = tpu.memref_slice %arg4[%dma_wait3A_393, %dma_wait3A_394, %dma_wait3A_400, %dma_wait3A_401, %dma_wait3A_402] : memref<200x4x32x8x128xf32, #tpu.memory_space<hbm>> -> memref<1x1x8x8x128xf32, #tpu.memory_space<hbm>>
          %dma_wait3A_404 = tpu.memref_squeeze %dma_wait3A_403 : memref<1x1x8x8x128xf32, #tpu.memory_space<hbm>> -> memref<8x8x128xf32, #tpu.memory_space<hbm>>
          %dma_wait3A_405 = arith.constant 0 : i32
          %dma_wait3A_406 = arith.constant 0 : i32
          %dma_wait3A_407 = arith.constant 0 : i32
          %dma_wait3A_408 = tpu.memref_slice %arg4[%dma_wait3A_393, %dma_wait3A_394, %dma_wait3A_405, %dma_wait3A_406, %dma_wait3A_407] : memref<200x4x32x8x128xf32, #tpu.memory_space<hbm>> -> memref<1x1x8x8x128xf32, #tpu.memory_space<hbm>>
          %dma_wait3A_409 = tpu.memref_squeeze %dma_wait3A_408 : memref<1x1x8x8x128xf32, #tpu.memory_space<hbm>> -> memref<8x8x128xf32, #tpu.memory_space<hbm>>
          %dma_wait3A_410 = arith.constant 0 : i32
          %dma_wait3A_411 = arith.constant 0 : i32
          %dma_wait3A_412 = arith.constant 0 : i32
          %dma_wait3A_413 = tpu.memref_slice %arg9[%dma_wait3A_392, %dma_wait3A_410, %dma_wait3A_411, %dma_wait3A_412] : memref<4x8x8x129xf32, #tpu.memory_space<vmem>> -> memref<1x8x8x128xf32, #tpu.memory_space<vmem>>
          %dma_wait3A_414 = tpu.memref_squeeze %dma_wait3A_413 : memref<1x8x8x128xf32, #tpu.memory_space<vmem>> -> memref<8x8x128xf32, #tpu.memory_space<vmem>>
          tpu.wait_dma2 semaphore(%arg14 : memref<!tpu.dma_semaphore, #tpu.memory_space<semaphore_mem>>) src(%dma_wait3A_414 : memref<8x8x128xf32, #tpu.memory_space<vmem>>) dst(%dma_wait3A_409 : memref<8x8x128xf32, #tpu.memory_space<hbm>>)
          %dma_wait3A_415 = arith.constant 3 : i32
          %dma_wait3A_416 = arith.constant 0 : i32
          %dma_wait3A_417 = arith.constant 3 : i32
          %dma_wait3A_418 = arith.constant 0 : i32
          %dma_wait3A_419 = arith.constant 0 : i32
          %dma_wait3A_420 = arith.constant 0 : i32
          %dma_wait3A_421 = tpu.memref_slice %arg9[%dma_wait3A_415, %dma_wait3A_418, %dma_wait3A_419, %dma_wait3A_420] : memref<4x8x8x129xf32, #tpu.memory_space<vmem>> -> memref<1x8x8x128xf32, #tpu.memory_space<vmem>>
          %dma_wait3A_422 = tpu.memref_squeeze %dma_wait3A_421 : memref<1x8x8x128xf32, #tpu.memory_space<vmem>> -> memref<8x8x128xf32, #tpu.memory_space<vmem>>
          %dma_wait3A_423 = arith.constant 0 : i32
          %dma_wait3A_424 = arith.constant 0 : i32
          %dma_wait3A_425 = arith.constant 0 : i32
          %dma_wait3A_426 = tpu.memref_slice %arg4[%dma_wait3A_416, %dma_wait3A_417, %dma_wait3A_423, %dma_wait3A_424, %dma_wait3A_425] : memref<200x4x32x8x128xf32, #tpu.memory_space<hbm>> -> memref<1x1x8x8x128xf32, #tpu.memory_space<hbm>>
          %dma_wait3A_427 = tpu.memref_squeeze %dma_wait3A_426 : memref<1x1x8x8x128xf32, #tpu.memory_space<hbm>> -> memref<8x8x128xf32, #tpu.memory_space<hbm>>
          %dma_wait3A_428 = arith.constant 0 : i32
          %dma_wait3A_429 = arith.constant 0 : i32
          %dma_wait3A_430 = arith.constant 0 : i32
          %dma_wait3A_431 = tpu.memref_slice %arg4[%dma_wait3A_416, %dma_wait3A_417, %dma_wait3A_428, %dma_wait3A_429, %dma_wait3A_430] : memref<200x4x32x8x128xf32, #tpu.memory_space<hbm>> -> memref<1x1x8x8x128xf32, #tpu.memory_space<hbm>>
          %dma_wait3A_432 = tpu.memref_squeeze %dma_wait3A_431 : memref<1x1x8x8x128xf32, #tpu.memory_space<hbm>> -> memref<8x8x128xf32, #tpu.memory_space<hbm>>
          %dma_wait3A_433 = arith.constant 0 : i32
          %dma_wait3A_434 = arith.constant 0 : i32
          %dma_wait3A_435 = arith.constant 0 : i32
          %dma_wait3A_436 = tpu.memref_slice %arg9[%dma_wait3A_415, %dma_wait3A_433, %dma_wait3A_434, %dma_wait3A_435] : memref<4x8x8x129xf32, #tpu.memory_space<vmem>> -> memref<1x8x8x128xf32, #tpu.memory_space<vmem>>
          %dma_wait3A_437 = tpu.memref_squeeze %dma_wait3A_436 : memref<1x8x8x128xf32, #tpu.memory_space<vmem>> -> memref<8x8x128xf32, #tpu.memory_space<vmem>>
          tpu.wait_dma2 semaphore(%arg14 : memref<!tpu.dma_semaphore, #tpu.memory_space<semaphore_mem>>) src(%dma_wait3A_437 : memref<8x8x128xf32, #tpu.memory_space<vmem>>) dst(%dma_wait3A_432 : memref<8x8x128xf32, #tpu.memory_space<hbm>>)
        } else {
        }
        %parallel_loop3A = arith.constant 0 : i32
        %parallel_loop3A_208 = arith.constant 8 : i32
        %parallel_loop3A_209 = arith.constant 1 : i32
        scf.for %parallel_loop3A_346 = %parallel_loop3A to %parallel_loop3A_208 step %parallel_loop3A_209  : i32 {
          %parallel_loop3A_347 = vector.broadcast %parallel_loop3A_346 : i32 to vector<16xi32>
          %parallel_loop3A_348 = arith.muli %broadcast_in_dim3A_49, %parallel_loop3A_347 : vector<16xi32>
          %parallel_loop3A_349 = arith.constant 0 : i32
          %parallel_loop3A_350 = arith.constant 128 : i32
          %parallel_loop3A_351 = arith.constant 1 : i32
          scf.for %parallel_loop3A_352 = %parallel_loop3A_349 to %parallel_loop3A_350 step %parallel_loop3A_351  : i32 {
            %parallel_loop3A_353 = arith.constant 128 : i32
            %parallel_loop3A_354 = arith.muli %parallel_loop3A_346, %parallel_loop3A_353 : i32
            %parallel_loop3A_355 = arith.addi %parallel_loop3A_354, %parallel_loop3A_352 : i32
            %parallel_loop3A_356 = vector.broadcast %parallel_loop3A_352 : i32 to vector<16xi32>
            %parallel_loop3A_357 = arith.muli %broadcast_in_dim3A_49, %parallel_loop3A_356 : vector<16xi32>
            %parallel_loop3A_358 = arith.index_cast %parallel_loop3A_355 : i32 to index
            %parallel_loop3A_359 = arith.constant 0 : index
            %parallel_loop3A_360 = tpu.vector_load %arg8[%parallel_loop3A_358, %parallel_loop3A_359] {strides = array<i32>} : memref<1024x32xf32, #tpu.memory_space<vmem>>, vector<16xf32>,
            %parallel_loop3A_361 = arith.index_cast %parallel_loop3A_355 : i32 to index
            %parallel_loop3A_362 = arith.constant 16 : index
            %parallel_loop3A_363 = tpu.vector_load %arg8[%parallel_loop3A_361, %parallel_loop3A_362] {strides = array<i32>} : memref<1024x32xf32, #tpu.memory_space<vmem>>, vector<16xf32>,
            tpu.vector_store_idx %arg9[%select_n3A, %parallel_loop3A_348, %select_n3A_45, %parallel_loop3A_357], %parallel_loop3A_360 : memref<4x8x8x129xf32, #tpu.memory_space<vmem>>[vector<16xi32>, vector<16xi32>, vector<16xi32>, vector<16xi32>], vector<16xf32>,
            tpu.vector_store_idx %arg9[%add3A_48, %parallel_loop3A_348, %select_n3A_45, %parallel_loop3A_357], %parallel_loop3A_363 : memref<4x8x8x129xf32, #tpu.memory_space<vmem>>[vector<16xi32>, vector<16xi32>, vector<16xi32>, vector<16xi32>], vector<16xf32>,
          } {sc.loop_unroll_factor = 4 : i64, sc.parallel_access}
        } {sc.loop_unroll_factor = 1 : i64, sc.parallel_access}
        %add3A_210 = arith.addi %mul3A_2, %add3A_181 : i32
        %jit3A_211 = arith.constant 4 : i32
        %div3A_212 = arith.divsi %add3A_210, %jit3A_211 : i32
        %sign3A_213 = arith.constant 0 : i32
        %sign3A_214 = arith.cmpi sgt, %add3A_210, %sign3A_213 : i32
        %sign3A_215 = arith.extui %sign3A_214 : i1 to i32
        %sign3A_216 = arith.constant 0 : i32
        %sign3A_217 = arith.cmpi slt, %add3A_210, %sign3A_216 : i32
        %sign3A_218 = arith.extui %sign3A_217 : i1 to i32
        %sign3A_219 = arith.subi %sign3A_215, %sign3A_218 : i32
        %sign3A_220 = arith.constant 0 : i32
        %sign3A_221 = arith.cmpi sgt, %jit3A_211, %sign3A_220 : i32
        %sign3A_222 = arith.extui %sign3A_221 : i1 to i32
        %sign3A_223 = arith.constant 0 : i32
        %sign3A_224 = arith.cmpi slt, %jit3A_211, %sign3A_223 : i32
        %sign3A_225 = arith.extui %sign3A_224 : i1 to i32
        %sign3A_226 = arith.subi %sign3A_222, %sign3A_225 : i32
        %ne3A_227 = arith.cmpi ne, %sign3A_219, %sign3A_226 : i32
        %rem3A_228 = arith.remsi %add3A_210, %jit3A_211 : i32
        %ne3A_229 = arith.constant 0 : i32
        %ne3A_230 = arith.cmpi ne, %rem3A_228, %ne3A_229 : i32
        %and3A_231 = arith.andi %ne3A_227, %ne3A_230 : i1
        %sub3A_232 = arith.constant 1 : i32
        %sub3A_233 = arith.subi %div3A_212, %sub3A_232 : i32
        %select_n3A_234 = arith.select %and3A_231, %sub3A_233, %div3A_212 : i32
        %jit3A_235 = arith.constant 4 : i32
        %eq3A_236 = arith.constant 0 : i32
        %eq3A_237 = arith.cmpi eq, %jit3A_235, %eq3A_236 : i32
        %jit3A_238 = arith.constant 1 : i32
        %select_n3A_239 = arith.select %eq3A_237, %jit3A_238, %jit3A_235 : i32
        %rem3A_240 = arith.remsi %add3A_210, %select_n3A_239 : i32
        %ne3A_241 = arith.constant 0 : i32
        %ne3A_242 = arith.cmpi ne, %rem3A_240, %ne3A_241 : i32
        %lt3A_243 = arith.constant 0 : i32
        %lt3A_244 = arith.cmpi slt, %rem3A_240, %lt3A_243 : i32
        %lt3A_245 = arith.constant 0 : i32
        %lt3A_246 = arith.cmpi slt, %select_n3A_239, %lt3A_245 : i32
        %ne3A_247 = arith.xori %lt3A_244, %lt3A_246 : i1
        %and3A_248 = arith.andi %ne3A_247, %ne3A_242 : i1
        %add3A_249 = arith.addi %rem3A_240, %select_n3A_239 : i32
        %select_n3A_250 = arith.select %and3A_248, %add3A_249, %rem3A_240 : i32
        %mul3A_251 = arith.constant 8 : i32
        %mul3A_252 = arith.muli %select_n3A_250, %mul3A_251 : i32
        %dma_start3A_253 = arith.constant 0 : i32
        %dma_start3A_254 = arith.constant 0 : i32
        %dma_start3A_255 = arith.constant 0 : i32
        %dma_start3A_256 = arith.constant 0 : i32
        %dma_start3A_257 = arith.constant 0 : i32
        %dma_start3A_258 = tpu.memref_slice %arg9[%dma_start3A_253, %dma_start3A_255, %dma_start3A_256, %dma_start3A_257] : memref<4x8x8x129xf32, #tpu.memory_space<vmem>> -> memref<1x8x8x128xf32, #tpu.memory_space<vmem>>
        %dma_start3A_259 = tpu.memref_squeeze %dma_start3A_258 : memref<1x8x8x128xf32, #tpu.memory_space<vmem>> -> memref<8x8x128xf32, #tpu.memory_space<vmem>>
        %dma_start3A_260 = arith.constant 0 : i32
        %dma_start3A_261 = arith.constant 0 : i32
        %dma_start3A_262 = tpu.memref_slice %arg4[%select_n3A_234, %dma_start3A_254, %mul3A_252, %dma_start3A_260, %dma_start3A_261] : memref<200x4x32x8x128xf32, #tpu.memory_space<hbm>> -> memref<1x1x8x8x128xf32, #tpu.memory_space<hbm>>
        %dma_start3A_263 = tpu.memref_squeeze %dma_start3A_262 : memref<1x1x8x8x128xf32, #tpu.memory_space<hbm>> -> memref<8x8x128xf32, #tpu.memory_space<hbm>>
        %dma_start3A_264 = arith.constant 0 : i32
        %dma_start3A_265 = arith.constant 0 : i32
        %dma_start3A_266 = tpu.memref_slice %arg4[%select_n3A_234, %dma_start3A_254, %mul3A_252, %dma_start3A_264, %dma_start3A_265] : memref<200x4x32x8x128xf32, #tpu.memory_space<hbm>> -> memref<1x1x8x8x128xf32, #tpu.memory_space<hbm>>
        %dma_start3A_267 = tpu.memref_squeeze %dma_start3A_266 : memref<1x1x8x8x128xf32, #tpu.memory_space<hbm>> -> memref<8x8x128xf32, #tpu.memory_space<hbm>>
        %dma_start3A_268 = arith.constant 0 : i32
        %dma_start3A_269 = arith.constant 0 : i32
        %dma_start3A_270 = arith.constant 0 : i32
        %dma_start3A_271 = tpu.memref_slice %arg9[%dma_start3A_253, %dma_start3A_268, %dma_start3A_269, %dma_start3A_270] : memref<4x8x8x129xf32, #tpu.memory_space<vmem>> -> memref<1x8x8x128xf32, #tpu.memory_space<vmem>>
        %dma_start3A_272 = tpu.memref_squeeze %dma_start3A_271 : memref<1x8x8x128xf32, #tpu.memory_space<vmem>> -> memref<8x8x128xf32, #tpu.memory_space<vmem>>
        tpu.enqueue_dma source(%dma_start3A_272 : memref<8x8x128xf32, #tpu.memory_space<vmem>>) target(%dma_start3A_267 : memref<8x8x128xf32, #tpu.memory_space<hbm>>) target_semaphore(%arg14 : memref<!tpu.dma_semaphore, #tpu.memory_space<semaphore_mem>>)
        %mul3A_273 = arith.constant 8 : i32
        %mul3A_274 = arith.muli %select_n3A_250, %mul3A_273 : i32
        %dma_start3A_275 = arith.constant 1 : i32
        %dma_start3A_276 = arith.constant 1 : i32
        %dma_start3A_277 = arith.constant 0 : i32
        %dma_start3A_278 = arith.constant 0 : i32
        %dma_start3A_279 = arith.constant 0 : i32
        %dma_start3A_280 = tpu.memref_slice %arg9[%dma_start3A_275, %dma_start3A_277, %dma_start3A_278, %dma_start3A_279] : memref<4x8x8x129xf32, #tpu.memory_space<vmem>> -> memref<1x8x8x128xf32, #tpu.memory_space<vmem>>
        %dma_start3A_281 = tpu.memref_squeeze %dma_start3A_280 : memref<1x8x8x128xf32, #tpu.memory_space<vmem>> -> memref<8x8x128xf32, #tpu.memory_space<vmem>>
        %dma_start3A_282 = arith.constant 0 : i32
        %dma_start3A_283 = arith.constant 0 : i32
        %dma_start3A_284 = tpu.memref_slice %arg4[%select_n3A_234, %dma_start3A_276, %mul3A_274, %dma_start3A_282, %dma_start3A_283] : memref<200x4x32x8x128xf32, #tpu.memory_space<hbm>> -> memref<1x1x8x8x128xf32, #tpu.memory_space<hbm>>
        %dma_start3A_285 = tpu.memref_squeeze %dma_start3A_284 : memref<1x1x8x8x128xf32, #tpu.memory_space<hbm>> -> memref<8x8x128xf32, #tpu.memory_space<hbm>>
        %dma_start3A_286 = arith.constant 0 : i32
        %dma_start3A_287 = arith.constant 0 : i32
        %dma_start3A_288 = tpu.memref_slice %arg4[%select_n3A_234, %dma_start3A_276, %mul3A_274, %dma_start3A_286, %dma_start3A_287] : memref<200x4x32x8x128xf32, #tpu.memory_space<hbm>> -> memref<1x1x8x8x128xf32, #tpu.memory_space<hbm>>
        %dma_start3A_289 = tpu.memref_squeeze %dma_start3A_288 : memref<1x1x8x8x128xf32, #tpu.memory_space<hbm>> -> memref<8x8x128xf32, #tpu.memory_space<hbm>>
        %dma_start3A_290 = arith.constant 0 : i32
        %dma_start3A_291 = arith.constant 0 : i32
        %dma_start3A_292 = arith.constant 0 : i32
        %dma_start3A_293 = tpu.memref_slice %arg9[%dma_start3A_275, %dma_start3A_290, %dma_start3A_291, %dma_start3A_292] : memref<4x8x8x129xf32, #tpu.memory_space<vmem>> -> memref<1x8x8x128xf32, #tpu.memory_space<vmem>>
        %dma_start3A_294 = tpu.memref_squeeze %dma_start3A_293 : memref<1x8x8x128xf32, #tpu.memory_space<vmem>> -> memref<8x8x128xf32, #tpu.memory_space<vmem>>
        tpu.enqueue_dma source(%dma_start3A_294 : memref<8x8x128xf32, #tpu.memory_space<vmem>>) target(%dma_start3A_289 : memref<8x8x128xf32, #tpu.memory_space<hbm>>) target_semaphore(%arg14 : memref<!tpu.dma_semaphore, #tpu.memory_space<semaphore_mem>>)
        %mul3A_295 = arith.constant 8 : i32
        %mul3A_296 = arith.muli %select_n3A_250, %mul3A_295 : i32
        %dma_start3A_297 = arith.constant 2 : i32
        %dma_start3A_298 = arith.constant 2 : i32
        %dma_start3A_299 = arith.constant 0 : i32
        %dma_start3A_300 = arith.constant 0 : i32
        %dma_start3A_301 = arith.constant 0 : i32
        %dma_start3A_302 = tpu.memref_slice %arg9[%dma_start3A_297, %dma_start3A_299, %dma_start3A_300, %dma_start3A_301] : memref<4x8x8x129xf32, #tpu.memory_space<vmem>> -> memref<1x8x8x128xf32, #tpu.memory_space<vmem>>
        %dma_start3A_303 = tpu.memref_squeeze %dma_start3A_302 : memref<1x8x8x128xf32, #tpu.memory_space<vmem>> -> memref<8x8x128xf32, #tpu.memory_space<vmem>>
        %dma_start3A_304 = arith.constant 0 : i32
        %dma_start3A_305 = arith.constant 0 : i32
        %dma_start3A_306 = tpu.memref_slice %arg4[%select_n3A_234, %dma_start3A_298, %mul3A_296, %dma_start3A_304, %dma_start3A_305] : memref<200x4x32x8x128xf32, #tpu.memory_space<hbm>> -> memref<1x1x8x8x128xf32, #tpu.memory_space<hbm>>
        %dma_start3A_307 = tpu.memref_squeeze %dma_start3A_306 : memref<1x1x8x8x128xf32, #tpu.memory_space<hbm>> -> memref<8x8x128xf32, #tpu.memory_space<hbm>>
        %dma_start3A_308 = arith.constant 0 : i32
        %dma_start3A_309 = arith.constant 0 : i32
        %dma_start3A_310 = tpu.memref_slice %arg4[%select_n3A_234, %dma_start3A_298, %mul3A_296, %dma_start3A_308, %dma_start3A_309] : memref<200x4x32x8x128xf32, #tpu.memory_space<hbm>> -> memref<1x1x8x8x128xf32, #tpu.memory_space<hbm>>
        %dma_start3A_311 = tpu.memref_squeeze %dma_start3A_310 : memref<1x1x8x8x128xf32, #tpu.memory_space<hbm>> -> memref<8x8x128xf32, #tpu.memory_space<hbm>>
        %dma_start3A_312 = arith.constant 0 : i32
        %dma_start3A_313 = arith.constant 0 : i32
        %dma_start3A_314 = arith.constant 0 : i32
        %dma_start3A_315 = tpu.memref_slice %arg9[%dma_start3A_297, %dma_start3A_312, %dma_start3A_313, %dma_start3A_314] : memref<4x8x8x129xf32, #tpu.memory_space<vmem>> -> memref<1x8x8x128xf32, #tpu.memory_space<vmem>>
        %dma_start3A_316 = tpu.memref_squeeze %dma_start3A_315 : memref<1x8x8x128xf32, #tpu.memory_space<vmem>> -> memref<8x8x128xf32, #tpu.memory_space<vmem>>
        tpu.enqueue_dma source(%dma_start3A_316 : memref<8x8x128xf32, #tpu.memory_space<vmem>>) target(%dma_start3A_311 : memref<8x8x128xf32, #tpu.memory_space<hbm>>) target_semaphore(%arg14 : memref<!tpu.dma_semaphore, #tpu.memory_space<semaphore_mem>>)
        %mul3A_317 = arith.constant 8 : i32
        %mul3A_318 = arith.muli %select_n3A_250, %mul3A_317 : i32
        %dma_start3A_319 = arith.constant 3 : i32
        %dma_start3A_320 = arith.constant 3 : i32
        %dma_start3A_321 = arith.constant 0 : i32
        %dma_start3A_322 = arith.constant 0 : i32
        %dma_start3A_323 = arith.constant 0 : i32
        %dma_start3A_324 = tpu.memref_slice %arg9[%dma_start3A_319, %dma_start3A_321, %dma_start3A_322, %dma_start3A_323] : memref<4x8x8x129xf32, #tpu.memory_space<vmem>> -> memref<1x8x8x128xf32, #tpu.memory_space<vmem>>
        %dma_start3A_325 = tpu.memref_squeeze %dma_start3A_324 : memref<1x8x8x128xf32, #tpu.memory_space<vmem>> -> memref<8x8x128xf32, #tpu.memory_space<vmem>>
        %dma_start3A_326 = arith.constant 0 : i32
        %dma_start3A_327 = arith.constant 0 : i32
        %dma_start3A_328 = tpu.memref_slice %arg4[%select_n3A_234, %dma_start3A_320, %mul3A_318, %dma_start3A_326, %dma_start3A_327] : memref<200x4x32x8x128xf32, #tpu.memory_space<hbm>> -> memref<1x1x8x8x128xf32, #tpu.memory_space<hbm>>
        %dma_start3A_329 = tpu.memref_squeeze %dma_start3A_328 : memref<1x1x8x8x128xf32, #tpu.memory_space<hbm>> -> memref<8x8x128xf32, #tpu.memory_space<hbm>>
        %dma_start3A_330 = arith.constant 0 : i32
        %dma_start3A_331 = arith.constant 0 : i32
        %dma_start3A_332 = tpu.memref_slice %arg4[%select_n3A_234, %dma_start3A_320, %mul3A_318, %dma_start3A_330, %dma_start3A_331] : memref<200x4x32x8x128xf32, #tpu.memory_space<hbm>> -> memref<1x1x8x8x128xf32, #tpu.memory_space<hbm>>
        %dma_start3A_333 = tpu.memref_squeeze %dma_start3A_332 : memref<1x1x8x8x128xf32, #tpu.memory_space<hbm>> -> memref<8x8x128xf32, #tpu.memory_space<hbm>>
        %dma_start3A_334 = arith.constant 0 : i32
        %dma_start3A_335 = arith.constant 0 : i32
        %dma_start3A_336 = arith.constant 0 : i32
        %dma_start3A_337 = tpu.memref_slice %arg9[%dma_start3A_319, %dma_start3A_334, %dma_start3A_335, %dma_start3A_336] : memref<4x8x8x129xf32, #tpu.memory_space<vmem>> -> memref<1x8x8x128xf32, #tpu.memory_space<vmem>>
        %dma_start3A_338 = tpu.memref_squeeze %dma_start3A_337 : memref<1x8x8x128xf32, #tpu.memory_space<vmem>> -> memref<8x8x128xf32, #tpu.memory_space<vmem>>
        tpu.enqueue_dma source(%dma_start3A_338 : memref<8x8x128xf32, #tpu.memory_space<vmem>>) target(%dma_start3A_333 : memref<8x8x128xf32, #tpu.memory_space<hbm>>) target_semaphore(%arg14 : memref<!tpu.dma_semaphore, #tpu.memory_space<semaphore_mem>>)
        %add3A_339 = arith.constant 2 : i32
        %add3A_340 = arith.addi %add3A_181, %add3A_339 : i32
        %lt3A_341 = arith.constant 25 : i32
        %lt3A_342 = arith.cmpi slt, %add3A_340, %lt3A_341 : i32
        %convert_element_type3A_343 = arith.extui %lt3A_342 : i1 to i32
        %cond3A_344 = arith.constant 0 : i32
        %cond3A_345 = arith.cmpi ne, %convert_element_type3A_343, %cond3A_344 : i32
        scf.if %cond3A_345 {
          %add3A_346 = arith.constant 2 : i32
          %add3A_347 = arith.addi %add3A_181, %add3A_346 : i32
          %add3A_348 = arith.addi %mul3A_2, %add3A_347 : i32
          %mul3A_349 = arith.constant 1024 : i32
          %mul3A_350 = arith.muli %add3A_348, %mul3A_349 : i32
          %dma_start3A_351 = tpu.memref_slice %arg2[%mul3A_350] : memref<819200xi32, #tpu.memory_space<hbm>> -> memref<1024xi32, #tpu.memory_space<hbm>>
          %dma_start3A_352 = tpu.memref_slice %arg2[%mul3A_350] : memref<819200xi32, #tpu.memory_space<hbm>> -> memref<1024xi32, #tpu.memory_space<hbm>>
          tpu.enqueue_dma source(%dma_start3A_352 : memref<1024xi32, #tpu.memory_space<hbm>>) target(%arg6 : memref<1024xi32, #tpu.memory_space<vmem>>) target_semaphore(%arg11 : memref<!tpu.dma_semaphore, #tpu.memory_space<semaphore_mem>>)
        } else {
        }
      } else {
      }
    }
    %scan3A_77 = arith.constant 13 : i32
    %dma_wait3A_78 = arith.constant 0 : i32
    %dma_wait3A_79 = arith.constant 0 : i32
    %dma_wait3A_80 = arith.constant 0 : i32
    %dma_wait3A_81 = arith.constant 0 : i32
    %dma_wait3A_82 = arith.constant 0 : i32
    %dma_wait3A_83 = arith.constant 0 : i32
    %dma_wait3A_84 = tpu.memref_slice %arg9[%dma_wait3A_78, %dma_wait3A_81, %dma_wait3A_82, %dma_wait3A_83] : memref<4x8x8x129xf32, #tpu.memory_space<vmem>> -> memref<1x8x8x128xf32, #tpu.memory_space<vmem>>
    %dma_wait3A_85 = tpu.memref_squeeze %dma_wait3A_84 : memref<1x8x8x128xf32, #tpu.memory_space<vmem>> -> memref<8x8x128xf32, #tpu.memory_space<vmem>>
    %dma_wait3A_86 = arith.constant 0 : i32
    %dma_wait3A_87 = arith.constant 0 : i32
    %dma_wait3A_88 = arith.constant 0 : i32
    %dma_wait3A_89 = tpu.memref_slice %arg4[%dma_wait3A_79, %dma_wait3A_80, %dma_wait3A_86, %dma_wait3A_87, %dma_wait3A_88] : memref<200x4x32x8x128xf32, #tpu.memory_space<hbm>> -> memref<1x1x8x8x128xf32, #tpu.memory_space<hbm>>
    %dma_wait3A_90 = tpu.memref_squeeze %dma_wait3A_89 : memref<1x1x8x8x128xf32, #tpu.memory_space<hbm>> -> memref<8x8x128xf32, #tpu.memory_space<hbm>>
    %dma_wait3A_91 = arith.constant 0 : i32
    %dma_wait3A_92 = arith.constant 0 : i32
    %dma_wait3A_93 = arith.constant 0 : i32
    %dma_wait3A_94 = tpu.memref_slice %arg4[%dma_wait3A_79, %dma_wait3A_80, %dma_wait3A_91, %dma_wait3A_92, %dma_wait3A_93] : memref<200x4x32x8x128xf32, #tpu.memory_space<hbm>> -> memref<1x1x8x8x128xf32, #tpu.memory_space<hbm>>
    %dma_wait3A_95 = tpu.memref_squeeze %dma_wait3A_94 : memref<1x1x8x8x128xf32, #tpu.memory_space<hbm>> -> memref<8x8x128xf32, #tpu.memory_space<hbm>>
    %dma_wait3A_96 = arith.constant 0 : i32
    %dma_wait3A_97 = arith.constant 0 : i32
    %dma_wait3A_98 = arith.constant 0 : i32
    %dma_wait3A_99 = tpu.memref_slice %arg9[%dma_wait3A_78, %dma_wait3A_96, %dma_wait3A_97, %dma_wait3A_98] : memref<4x8x8x129xf32, #tpu.memory_space<vmem>> -> memref<1x8x8x128xf32, #tpu.memory_space<vmem>>
    %dma_wait3A_100 = tpu.memref_squeeze %dma_wait3A_99 : memref<1x8x8x128xf32, #tpu.memory_space<vmem>> -> memref<8x8x128xf32, #tpu.memory_space<vmem>>
    tpu.wait_dma2 semaphore(%arg14 : memref<!tpu.dma_semaphore, #tpu.memory_space<semaphore_mem>>) src(%dma_wait3A_100 : memref<8x8x128xf32, #tpu.memory_space<vmem>>) dst(%dma_wait3A_95 : memref<8x8x128xf32, #tpu.memory_space<hbm>>)
    %dma_wait3A_101 = arith.constant 1 : i32
    %dma_wait3A_102 = arith.constant 0 : i32
    %dma_wait3A_103 = arith.constant 1 : i32
    %dma_wait3A_104 = arith.constant 0 : i32
    %dma_wait3A_105 = arith.constant 0 : i32
    %dma_wait3A_106 = arith.constant 0 : i32
    %dma_wait3A_107 = tpu.memref_slice %arg9[%dma_wait3A_101, %dma_wait3A_104, %dma_wait3A_105, %dma_wait3A_106] : memref<4x8x8x129xf32, #tpu.memory_space<vmem>> -> memref<1x8x8x128xf32, #tpu.memory_space<vmem>>
    %dma_wait3A_108 = tpu.memref_squeeze %dma_wait3A_107 : memref<1x8x8x128xf32, #tpu.memory_space<vmem>> -> memref<8x8x128xf32, #tpu.memory_space<vmem>>
    %dma_wait3A_109 = arith.constant 0 : i32
    %dma_wait3A_110 = arith.constant 0 : i32
    %dma_wait3A_111 = arith.constant 0 : i32
    %dma_wait3A_112 = tpu.memref_slice %arg4[%dma_wait3A_102, %dma_wait3A_103, %dma_wait3A_109, %dma_wait3A_110, %dma_wait3A_111] : memref<200x4x32x8x128xf32, #tpu.memory_space<hbm>> -> memref<1x1x8x8x128xf32, #tpu.memory_space<hbm>>
    %dma_wait3A_113 = tpu.memref_squeeze %dma_wait3A_112 : memref<1x1x8x8x128xf32, #tpu.memory_space<hbm>> -> memref<8x8x128xf32, #tpu.memory_space<hbm>>
    %dma_wait3A_114 = arith.constant 0 : i32
    %dma_wait3A_115 = arith.constant 0 : i32
    %dma_wait3A_116 = arith.constant 0 : i32
    %dma_wait3A_117 = tpu.memref_slice %arg4[%dma_wait3A_102, %dma_wait3A_103, %dma_wait3A_114, %dma_wait3A_115, %dma_wait3A_116] : memref<200x4x32x8x128xf32, #tpu.memory_space<hbm>> -> memref<1x1x8x8x128xf32, #tpu.memory_space<hbm>>
    %dma_wait3A_118 = tpu.memref_squeeze %dma_wait3A_117 : memref<1x1x8x8x128xf32, #tpu.memory_space<hbm>> -> memref<8x8x128xf32, #tpu.memory_space<hbm>>
    %dma_wait3A_119 = arith.constant 0 : i32
    %dma_wait3A_120 = arith.constant 0 : i32
    %dma_wait3A_121 = arith.constant 0 : i32
    %dma_wait3A_122 = tpu.memref_slice %arg9[%dma_wait3A_101, %dma_wait3A_119, %dma_wait3A_120, %dma_wait3A_121] : memref<4x8x8x129xf32, #tpu.memory_space<vmem>> -> memref<1x8x8x128xf32, #tpu.memory_space<vmem>>
    %dma_wait3A_123 = tpu.memref_squeeze %dma_wait3A_122 : memref<1x8x8x128xf32, #tpu.memory_space<vmem>> -> memref<8x8x128xf32, #tpu.memory_space<vmem>>
    tpu.wait_dma2 semaphore(%arg14 : memref<!tpu.dma_semaphore, #tpu.memory_space<semaphore_mem>>) src(%dma_wait3A_123 : memref<8x8x128xf32, #tpu.memory_space<vmem>>) dst(%dma_wait3A_118 : memref<8x8x128xf32, #tpu.memory_space<hbm>>)
    %dma_wait3A_124 = arith.constant 2 : i32
    %dma_wait3A_125 = arith.constant 0 : i32
    %dma_wait3A_126 = arith.constant 2 : i32
    %dma_wait3A_127 = arith.constant 0 : i32
    %dma_wait3A_128 = arith.constant 0 : i32
    %dma_wait3A_129 = arith.constant 0 : i32
    %dma_wait3A_130 = tpu.memref_slice %arg9[%dma_wait3A_124, %dma_wait3A_127, %dma_wait3A_128, %dma_wait3A_129] : memref<4x8x8x129xf32, #tpu.memory_space<vmem>> -> memref<1x8x8x128xf32, #tpu.memory_space<vmem>>
    %dma_wait3A_131 = tpu.memref_squeeze %dma_wait3A_130 : memref<1x8x8x128xf32, #tpu.memory_space<vmem>> -> memref<8x8x128xf32, #tpu.memory_space<vmem>>
    %dma_wait3A_132 = arith.constant 0 : i32
    %dma_wait3A_133 = arith.constant 0 : i32
    %dma_wait3A_134 = arith.constant 0 : i32
    %dma_wait3A_135 = tpu.memref_slice %arg4[%dma_wait3A_125, %dma_wait3A_126, %dma_wait3A_132, %dma_wait3A_133, %dma_wait3A_134] : memref<200x4x32x8x128xf32, #tpu.memory_space<hbm>> -> memref<1x1x8x8x128xf32, #tpu.memory_space<hbm>>
    %dma_wait3A_136 = tpu.memref_squeeze %dma_wait3A_135 : memref<1x1x8x8x128xf32, #tpu.memory_space<hbm>> -> memref<8x8x128xf32, #tpu.memory_space<hbm>>
    %dma_wait3A_137 = arith.constant 0 : i32
    %dma_wait3A_138 = arith.constant 0 : i32
    %dma_wait3A_139 = arith.constant 0 : i32
    %dma_wait3A_140 = tpu.memref_slice %arg4[%dma_wait3A_125, %dma_wait3A_126, %dma_wait3A_137, %dma_wait3A_138, %dma_wait3A_139] : memref<200x4x32x8x128xf32, #tpu.memory_space<hbm>> -> memref<1x1x8x8x128xf32, #tpu.memory_space<hbm>>
    %dma_wait3A_141 = tpu.memref_squeeze %dma_wait3A_140 : memref<1x1x8x8x128xf32, #tpu.memory_space<hbm>> -> memref<8x8x128xf32, #tpu.memory_space<hbm>>
    %dma_wait3A_142 = arith.constant 0 : i32
    %dma_wait3A_143 = arith.constant 0 : i32
    %dma_wait3A_144 = arith.constant 0 : i32
    %dma_wait3A_145 = tpu.memref_slice %arg9[%dma_wait3A_124, %dma_wait3A_142, %dma_wait3A_143, %dma_wait3A_144] : memref<4x8x8x129xf32, #tpu.memory_space<vmem>> -> memref<1x8x8x128xf32, #tpu.memory_space<vmem>>
    %dma_wait3A_146 = tpu.memref_squeeze %dma_wait3A_145 : memref<1x8x8x128xf32, #tpu.memory_space<vmem>> -> memref<8x8x128xf32, #tpu.memory_space<vmem>>
    tpu.wait_dma2 semaphore(%arg14 : memref<!tpu.dma_semaphore, #tpu.memory_space<semaphore_mem>>) src(%dma_wait3A_146 : memref<8x8x128xf32, #tpu.memory_space<vmem>>) dst(%dma_wait3A_141 : memref<8x8x128xf32, #tpu.memory_space<hbm>>)
    %dma_wait3A_147 = arith.constant 3 : i32
    %dma_wait3A_148 = arith.constant 0 : i32
    %dma_wait3A_149 = arith.constant 3 : i32
    %dma_wait3A_150 = arith.constant 0 : i32
    %dma_wait3A_151 = arith.constant 0 : i32
    %dma_wait3A_152 = arith.constant 0 : i32
    %dma_wait3A_153 = tpu.memref_slice %arg9[%dma_wait3A_147, %dma_wait3A_150, %dma_wait3A_151, %dma_wait3A_152] : memref<4x8x8x129xf32, #tpu.memory_space<vmem>> -> memref<1x8x8x128xf32, #tpu.memory_space<vmem>>
    %dma_wait3A_154 = tpu.memref_squeeze %dma_wait3A_153 : memref<1x8x8x128xf32, #tpu.memory_space<vmem>> -> memref<8x8x128xf32, #tpu.memory_space<vmem>>
    %dma_wait3A_155 = arith.constant 0 : i32
    %dma_wait3A_156 = arith.constant 0 : i32
    %dma_wait3A_157 = arith.constant 0 : i32
    %dma_wait3A_158 = tpu.memref_slice %arg4[%dma_wait3A_148, %dma_wait3A_149, %dma_wait3A_155, %dma_wait3A_156, %dma_wait3A_157] : memref<200x4x32x8x128xf32, #tpu.memory_space<hbm>> -> memref<1x1x8x8x128xf32, #tpu.memory_space<hbm>>
    %dma_wait3A_159 = tpu.memref_squeeze %dma_wait3A_158 : memref<1x1x8x8x128xf32, #tpu.memory_space<hbm>> -> memref<8x8x128xf32, #tpu.memory_space<hbm>>
    %dma_wait3A_160 = arith.constant 0 : i32
    %dma_wait3A_161 = arith.constant 0 : i32
    %dma_wait3A_162 = arith.constant 0 : i32
    %dma_wait3A_163 = tpu.memref_slice %arg4[%dma_wait3A_148, %dma_wait3A_149, %dma_wait3A_160, %dma_wait3A_161, %dma_wait3A_162] : memref<200x4x32x8x128xf32, #tpu.memory_space<hbm>> -> memref<1x1x8x8x128xf32, #tpu.memory_space<hbm>>
    %dma_wait3A_164 = tpu.memref_squeeze %dma_wait3A_163 : memref<1x1x8x8x128xf32, #tpu.memory_space<hbm>> -> memref<8x8x128xf32, #tpu.memory_space<hbm>>
    %dma_wait3A_165 = arith.constant 0 : i32
    %dma_wait3A_166 = arith.constant 0 : i32
    %dma_wait3A_167 = arith.constant 0 : i32
    %dma_wait3A_168 = tpu.memref_slice %arg9[%dma_wait3A_147, %dma_wait3A_165, %dma_wait3A_166, %dma_wait3A_167] : memref<4x8x8x129xf32, #tpu.memory_space<vmem>> -> memref<1x8x8x128xf32, #tpu.memory_space<vmem>>
    %dma_wait3A_169 = tpu.memref_squeeze %dma_wait3A_168 : memref<1x8x8x128xf32, #tpu.memory_space<vmem>> -> memref<8x8x128xf32, #tpu.memory_space<vmem>>
    tpu.wait_dma2 semaphore(%arg14 : memref<!tpu.dma_semaphore, #tpu.memory_space<semaphore_mem>>) src(%dma_wait3A_169 : memref<8x8x128xf32, #tpu.memory_space<vmem>>) dst(%dma_wait3A_164 : memref<8x8x128xf32, #tpu.memory_space<hbm>>)
    return
  }
}

module attributes {stable_mosaic.version = 14 : i64} {
  func.func @_detile_body(%arg0: i32, %arg1: memref<32x2048xf32, #tpu.memory_space<vmem>>, %arg2: memref<512x128xf32, #tpu.memory_space<vmem>>) attributes {dimension_semantics = [#tpu.dimension_semantics<arbitrary>], iteration_bounds = array<i64: 489>, scalar_prefetch = 0 : i64, scratch_operands = 0 : i64, tpu.core_type = #tpu.core_type<tc>, window_params = [{transform_indices = @transform_0, window_bounds = array<i64: 32, 2048>}, {transform_indices = @transform_1, window_bounds = array<i64: 512, 128>}]} {
    %get3A = arith.constant 0 : index
    %get3A_0 = arith.constant 0 : index
    %get3A_1 = vector.load %arg1[%get3A, %get3A_0] : memref<32x2048xf32, #tpu.memory_space<vmem>>, vector<32x2048xf32>
    %slice3A = vector.extract_strided_slice %get3A_1 {offsets = [0, 0], sizes = [32, 512], strides = [1, 1]} : vector<32x2048xf32> to vector<32x512xf32>
    %slice3A_2 = vector.extract_strided_slice %get3A_1 {offsets = [0, 512], sizes = [32, 512], strides = [1, 1]} : vector<32x2048xf32> to vector<32x512xf32>
    %slice3A_3 = vector.extract_strided_slice %get3A_1 {offsets = [0, 1024], sizes = [32, 512], strides = [1, 1]} : vector<32x2048xf32> to vector<32x512xf32>
    %slice3A_4 = vector.extract_strided_slice %get3A_1 {offsets = [0, 1536], sizes = [32, 512], strides = [1, 1]} : vector<32x2048xf32> to vector<32x512xf32>
    %concatenate3A = tpu.concatenate %slice3A, %slice3A_2, %slice3A_3, %slice3A_4 in 0 : vector<32x512xf32>, vector<32x512xf32>, vector<32x512xf32>, vector<32x512xf32> -> vector<128x512xf32>
    %transpose3A = tpu.transpose %concatenate3A, [1, 0] : vector<128x512xf32> -> vector<512x128xf32>
    %swap3A = arith.constant 0 : index
    %swap3A_5 = arith.constant 0 : index
    %swap3A_6 = vector.load %arg2[%swap3A, %swap3A_5] : memref<512x128xf32, #tpu.memory_space<vmem>>, vector<512x128xf32>
    tpu.vector_store %arg2[%swap3A, %swap3A_5], %transpose3A {strides = array<i32>} : memref<512x128xf32, #tpu.memory_space<vmem>>, vector<512x128xf32>,
    return
  }
  func.func @transform_0(%arg0: i32) -> (i32, i32) {
    %c0_i32 = arith.constant 0 : i32
    %c0_i32_0 = arith.constant 0 : i32
    return %c0_i32, %arg0 : i32, i32
  }
  func.func @transform_1(%arg0: i32) -> (i32, i32) {
    %c0_i32 = arith.constant 0 : i32
    %c0_i32_0 = arith.constant 0 : i32
    return %arg0, %c0_i32 : i32, i32
  }
}

</mosaic_0001>

<sc_bundles>
// kernel: kernel.4.cloned.1.call-start
scs
__scs_entry_jumppad:
0x0: {  	(pc) =	sbr.rel $0x88, $3  }
0x1: {  	(tag) =	ssettag $0x0;
	lr =	simm.s32 $0x1  }
0x2: {  	[smem:$0x3F9F] =	sst lr;
	_ =	strace $0xD0000000  }
0x3: {  	_ = 	snop  }
0x4: {  	_ = 	snop  }
0x5: {  	_ = 	snop  }
0x6: {  	_ = 	snop  }
0x7: {  	_ = 	snop  }
__scs_overlays_trampoline_lowered:
0x8: {  	[smem:$0x3FAE] =	sst s0  }
0x9: {  	[smem:$0x3FAF] =	sst s1  }
0xa: {  	[smem:$0x3FB0] =	sst s2  }
0xb: {  	[smem:$0x3FB1] =	sst s3  }
0xc: {  	[smem:$0x3FB2] =	sst s4  }
0xd: {  	[smem:$0x3FB3] =	sst s5  }
0xe: {  	[smem:$0x3FB4] =	sst s6  }
0xf: {  	[smem:$0x3FB5] =	sst s7  }
0x10: {  	[smem:$0x3FB6] =	sst s8  }
0x11: {  	[smem:$0x3FB7] =	sst s9;
	s0 =	simm.s32 @!p0 $0x0  }
0x12: {  	s1 =	sld [smem:$0x3F9D];
	s0 =	simm.s32 @p0 $0x1  }
0x13: {  	[smem:$0x3FB8] =	sst s0;
	s0 =	simm.s32 @!p1 $0x0  }
0x14: {  	s2 =	sld [smem:$0x3F9C];
	s0 =	simm.s32 @p1 $0x1  }
0x15: {  	[smem:$0x3FB9] =	sst s0;
	s0 =	simm.s32 @!p2 $0x0  }
0x16: {  	s3 =	sld [smem:$0x3FDB];
	s0 =	simm.s32 @p2 $0x1  }
0x17: {  	s4 =	simm.s32 $0x1BF5;
	[smem:$0x3FBB] =	sst s0  }
0x18: {  	s0 =	sld [smem:$0x3F9E];
	_ =	swait.ge [sflag:s4], $0x0  }
0x19: {  	s7 =	sld [smem:$0x3F9F]  }
0x1a: {  	s8 =	sadd.s32 $0xFFFFE003, lr  }
0x1b: {  	s9 =	sadd.s32 $0xFFFFFEF7, lr;
	s5 =	simm.s32 $0xFFFFFFFF;
	p2 =	slt.u32 s8, $0xFFFFF086  }
0x1c: {  	p1 =	slt.u32 s9, $0xF7A;
	s5 =	simm.s32 @!p2 $0x0  }
0x1d: {  	s5 =	simm.s32 @p1 $0x1;
	p0 =	seq.s32 s7, s2  }
0x1e: {  	s7 =	smul.u32 @!p0 $0xF7A, s2;
	p2 =	seq.s32 @!p0 s5, $0x0  }
0x1f: {  	s9 =	smul.u32 $0xF7A, s1;
	s8 =	simm.s32 @!p0 $0x1BF5;
	p2 =	por !p2, p0  }
0x20: {  	[sflag:s8] =	ssyncset.s32 @!p0 $0xFFFFF086;
	s6 =	sadd.s32 @!p0 s3, s7;
	s7 =	simm.s32 @!p0 $0x108  }
0x21: {  	s3 =	sadd.s32 s3, s9;
	s6 =	sadd.s32 @!p0 $0x88, s6;
	s7 =	simm.s32 @p2 $0x1082  }
0x22: {  	[simem:s7], [sflag:s8] =	dma.local @!p0 [hbm:s6], $0xF7A  }
0x23: {  	s9 =	sor.u32 $0xD0000000, s2;
	s6 =	simm.s32 $0x108;
	_ =	swait.ge @!p0 [sflag:s8], $0x0  }
0x24: {  	s3 =	sadd.s32 $0x88, s3;
	s6 =	simm.s32 @!p1 $0x1082;
	[sflag:s4] =	ssyncset.s32 $0xFFFFF086  }
0x25: {  	[simem:s6], [sflag:s4] =	dma.local [hbm:s3], $0xF7A  }
0x26: {  	[smem:$0x3F9F] =	sst s1;
	(tag) =	ssettag s2;
	_ =	strace s9  }
0x27: {  	s1 =	sld [smem:$0x3FAF]  }
0x28: {  	s2 =	sld [smem:$0x3FB0]  }
0x29: {  	s4 =	sld [smem:$0x3FB2]  }
0x2a: {  	p0 =	seq.s32 s5, $0x0;
	s5 =	sld [smem:$0x3FB3]  }
0x2b: {  	s6 =	sld [smem:$0x3FB4]  }
0x2c: {  	s7 =	sld [smem:$0x3FB5]  }
0x2d: {  	s3 =	simm.s32 $0x108;
	s8 =	sld [smem:$0x3FB6]  }
0x2e: {  	s3 =	simm.s32 @!p0 $0x1082;
	s9 =	sld [smem:$0x3FB7]  }
0x2f: {  	lr =	sadd.s32 s0, s3;
	s0 =	sld [smem:$0x3FAE]  }
0x30: {  	s3 =	sld [smem:$0x3FB1]  }
0x31: {  	[smem:$0x3FBA] =	sst s10  }
0x32: {  	s10 =	sld [smem:$0x3FB8];
	_ =	sdelay $0x3  }
0x33: {  	p0 =	seq.s32 s10, $0x1;
	s10 =	sld [smem:$0x3FBA];
	_ =	sdelay $0x3  }
0x34: {  	[smem:$0x3FBA] =	sst s10  }
0x35: {  	s10 =	sld [smem:$0x3FB9];
	_ =	sdelay $0x3  }
0x36: {  	p1 =	seq.s32 s10, $0x1;
	s10 =	sld [smem:$0x3FBA];
	_ =	sdelay $0x3  }
0x37: {  	[smem:$0x3FBA] =	sst s10  }
0x38: {  	s10 =	sld [smem:$0x3FBB]  }
0x39: {  	_ = 	snop;
	(pc) =	sbr.ind lr, $3  }
0x3a: {  	_ = 	snop  }
0x3b: {  	_ = 	snop  }
0x3c: {  	p2 =	seq.s32 s10, $0x1;
	s10 =	sld [smem:$0x3FBA]  }
0x3d: {  	_ =	shalt  }
0x3e: {  	_ =	shalt  }
0x3f: {  	_ =	shalt  }
0x40: {  	_ =	shalt  }
0x41: {  	_ =	shalt  }
0x42: {  	_ =	shalt  }
0x43: {  	_ =	shalt  }
0x44: {  	_ =	shalt  }
0x45: {  	_ =	shalt  }
0x46: {  	_ =	shalt  }
0x47: {  	_ =	shalt  }
0x48: {  	_ =	shalt  }
0x49: {  	_ =	shalt  }
0x4a: {  	_ =	shalt  }
0x4b: {  	_ =	shalt  }
0x4c: {  	_ =	shalt  }
0x4d: {  	_ =	shalt  }
0x4e: {  	_ =	shalt  }
0x4f: {  	_ =	shalt  }
0x50: {  	_ =	shalt  }
0x51: {  	_ =	shalt  }
0x52: {  	_ =	shalt  }
0x53: {  	_ =	shalt  }
0x54: {  	_ =	shalt  }
0x55: {  	_ =	shalt  }
0x56: {  	_ =	shalt  }
0x57: {  	_ =	shalt  }
0x58: {  	_ =	shalt  }
0x59: {  	_ =	shalt  }
0x5a: {  	_ =	shalt  }
0x5b: {  	_ =	shalt  }
0x5c: {  	_ =	shalt  }
0x5d: {  	_ =	shalt  }
0x5e: {  	_ =	shalt  }
0x5f: {  	_ =	shalt  }
0x60: {  	_ =	shalt  }
0x61: {  	_ =	shalt  }
0x62: {  	_ =	shalt  }
0x63: {  	_ =	shalt  }
0x64: {  	_ =	shalt  }
0x65: {  	_ =	shalt  }
0x66: {  	_ =	shalt  }
0x67: {  	_ =	shalt  }
0x68: {  	_ =	shalt  }
0x69: {  	_ =	shalt  }
0x6a: {  	_ =	shalt  }
0x6b: {  	_ =	shalt  }
0x6c: {  	_ =	shalt  }
0x6d: {  	_ =	shalt  }
0x6e: {  	_ =	shalt  }
0x6f: {  	_ =	shalt  }
0x70: {  	_ =	shalt  }
0x71: {  	_ =	shalt  }
0x72: {  	_ =	shalt  }
0x73: {  	_ =	shalt  }
0x74: {  	_ =	shalt  }
0x75: {  	_ =	shalt  }
0x76: {  	_ =	shalt  }
0x77: {  	_ =	shalt  }
0x78: {  	_ =	shalt  }
0x79: {  	_ =	shalt  }
0x7a: {  	_ =	shalt  }
0x7b: {  	_ =	shalt  }
0x7c: {  	_ =	shalt  }
0x7d: {  	_ =	shalt  }
0x7e: {  	_ =	shalt  }
0x7f: {  	_ =	shalt  }
0x80: {  	_ =	shalt  }
0x81: {  	_ =	shalt  }
0x82: {  	_ =	shalt  }
0x83: {  	_ =	shalt  }
0x84: {  	_ =	shalt  }
0x85: {  	_ =	shalt  }
0x86: {  	_ =	shalt  }
0x87: {  	_ =	shalt  }
.Lfunc_end0:
.L_simem_size_0:
called_computation_lowered:
.L_overlay_start_0:
0x88: {  	s2 =	sld [smem:$0x3FD9]  }
0x89: {  	s3 =	sld [smem:$0x3FFE];
	_ =	sdelay $0x1  }
0x8a: {  	s1 =	srdreg.scid  }
0x8b: {  	s0 =	sand.u32 $0x1, s1  }
0x8c: {  	s17 =	sshll.u32 s0, $0xA;
	s2 =	sadd.s32 s3, s2  }
0x8d: {  	s2 =	sadd.s32 s2, s17  }
0x8e: {  	[smem:$0x3FC6] =	sst s2  }
0x8f: {  	_ = 	snop  }
0x90: {  	s2 =	sld [smem:$0x3FD0];
	(tm) =	ssettm $0x1  }
0x91: {  	s18 =	sld [smem:$0x3FFB];
	_ =	sdelay $0x3  }
0x92: {  	_ =	strace s18  }
0x93: {  	s3 =	sld [smem:$0x3FFC];
	_ =	sdelay $0x3  }
0x94: {  	_ =	strace s3  }
0x95: {  	s3 =	sld [smem:$0x3FFD];
	_ =	sdelay $0x3  }
0x96: {  	_ =	strace s3  }
0x97: {  	_ =	strace $0x8FFFFFFF  }
0x98: {  	s19 =	sld [smem:$0x3FDB];
	_ =	sdelay $0x1  }
0x99: {  	s4 =	simm.s32 $_scs_section_size  }
0x9a: {  	s5 =	simm.s32 $_size__tile_overlayer_lowered;
	s6 =	simm.s32 $_tile_overlayer_lowered  }
0x9b: {  	s22 =	simm.s32 $0x1BFF;
	s21 =	sshll.u32 s6, $0x1;
	s3 =	sadd.s32 s4, s19  }
0x9c: {  	s7 =	simm.s32 $0x0;
	s20 =	sshll.u32 s5, $0x1;
	s5 =	sadd.s32 s21, s3  }
0x9d: {  	[timem:s7], [sflag:s22] =	dma.local [hbm:s5], s20  }
0x9e: {  	_ =	swait.ge [sflag:s22], s20  }
0x9f: {  	s4 =	ssub.s32 $0x0, s20;
	[sflag:s22] =	ssyncset.done $0x0  }
0xa0: {  	[sflag:s22] =	ssyncadd.s32 s4;
	_ =	sdelay $0x1  }
0xa1: {  	s23 =	simm.s32 $0x1B8B  }
0xa2: {  	_ =	swait.ge [sflag:s23], $0x1  }
0xa3: {  	[sflag:s23] =	ssyncset.done $0x0  }
0xa4: {  	s25 =	simm.s32 $0x1B8E;
	s24 =	sld [smem:$0x3FFE];
	[sflag:s23] =	ssyncadd.s32 $0xFFFFFFFF  }
0xa5: {  	s26 =	simm.s32 $execute0_lowered;
	[smem:$0x3FD2] =	sst s25  }
0xa6: {  	s5 =	sshll.u32 s26, $0x1;
	_ =	strace $0x80000046;
	[dreg:$0x1] =	wrdreg $0xFFFFFFFF  }
0xa7: {  	s28 =	simm.s32 $_size_execute0_lowered;
	s3 =	sadd.s32 s3, s5;
	[dreg:$0x0] =	wrdreg $0x0  }
0xa8: {  	s5 =	sshll.u32 s28, $0x1;
	[dreg:$0x2] =	wrdreg s3  }
0xa9: {  	[dreg:$0x3] =	wrdreg s5  }
0xaa: {  	[dreg:$0x4] =	wrdreg $0xC0  }
0xab: {  	_ =	task [dreg:s7], $0x5FFFF  }
0xac: {  	[dreg:$0x1] =	wrdreg $0xFFFFFFFF  }
0xad: {  	[dreg:$0x0] =	wrdreg $0x60  }
0xae: {  	[dreg:$0x2] =	wrdreg s24  }
0xaf: {  	[dreg:$0x3] =	wrdreg s2  }
0xb0: {  	[dreg:$0x4] =	wrdreg $0x9  }
0xb1: {  	_ =	task.clear_ibuf [dreg:s7], $0x5FFFF;
	_ =	strace $0x90000046  }
0xb2: {  	s29 =	simm.s32 $0x9;
	_ =	strace $0x80000048  }
0xb3: {  	_ =	swait.ge [sflag:s29], $0x1  }
0xb4: {  	[sflag:s29] =	ssyncadd.s32 $0xFFFFFFFF  }
0xb5: {  	_ =	strace $0x90000048  }
0xb6: {  	_ =	sfence  }
0xb7: {  	s30 =	sld [smem:$0x0];
	_ =	sdelay $0x2  }
0xb8: {  	s31 =	sshll.u32 s1, $0xD;
	s1 =	sshrl.u32 s1, $0x2  }
0xb9: {  	s3 =	sand.u32 $0x4000, s31;
	s1 =	sadd.s32 s1, s30  }
0xba: {  	s0 =	sor.u32 s3, s0;
	s1 =	sshll.u32 s1, $0x11  }
0xbb: {  	s0 =	sor.u32 s1, s0  }
0xbc: {  	s0 =	sadd.s32 $0x8F2B, s0  }
0xbd: {  	[sflag:s0] =	ssyncadd.remote.s32 $0x1  }
0xbe: {  	_ =	sfence.sel $0xFFFF  }
0xbf: {  	[dreg:$0x0] =	wrdreg $0xFFFFFFFF;
	(pc) =	sbr.abs _section_cstart, $3  }
0xc0: {  	[dreg:$0x1] =	wrdreg $0xFFFFFFFF  }
0xc1: {  	_ =	task.clear_ibuf [dreg:s7], $0x2FFFF;
	_ =	strace $0x9FFFFFFF  }
0xc2: {  	(tm) =	ssettm $0x7FFFFFFF  }
0xc3: {  	_ =	shalt  }
tec
execute0_lowered:
.L_overlay_start_1:
0x0: {  	(tag) =	ssettag $0x1  }
0x1: {  	v0 =	vimm.s32 $0x25B8  }
0x2: {  	vm0 =	vcmask $0x300;
	v1 =	vimm.s32 $0x69B8;
	vm1 =	vcmask $0x704  }
0x3: {  	s0 =	rddreg [dreg:$0x0];
	vm15 =	vcmask $0xB08;
	v0 =	vsel vm0, $0x0, v0;
	v1 =	vsel vm0, $0x4400, v1  }
0x4: {  	s1 =	rddreg [dreg:$0x1];
	vm4 =	vcmask $0xF0C;
	v0 =	vsel vm1, $0x88, v0;
	v1 =	vsel vm1, $0x4488, v1  }
0x5: {  	s2 =	srdreg.scid;
	s4 =	stileid.u32;
	s3 =	simm.s32 $0x0;
	vm5 =	vcmask $0x1310;
	v0 =	vsel vm15, $0x110, v0;
	v1 =	vsel vm15, $0x4510, v1  }
0x6: {  	vm6 =	vcmask $0x1714;
	s15 =	simm.s32 $0x1;
	s16 =	simm.s32 $0x400;
	s17 =	simm.s32 $0x800;
	v0 =	vsel vm4, $0x198, v0;
	v1 =	vsel vm4, $0x4598, v1  }
0x7: {  	vm7 =	vcmask $0x1B18;
	s18 =	simm.s32 $0x2;
	s19 =	simm.s32 $0x3;
	s20 =	simm.s32 $0x8800;
	v0 =	vsel vm5, $0x220, v0;
	v1 =	vsel vm5, $0x4620, v1  }
0x8: {  	vm8 =	vcmask $0x1F1C;
	s21 =	simm.s32 $0x10800;
	s22 =	simm.s32 $0x5;
	s23 =	simm.s32 $0x4;
	v0 =	vsel vm6, $0x2A8, v0;
	v1 =	vsel vm6, $0x46A8, v1  }
0x9: {  	vm9 =	vcmask $0x2320;
	s24 =	simm.s32 $0x0;
	s2 =	sand.u32 $0x1, s2;
	s4 =	sshll.u32 s4, $0x1;
	v0 =	vsel vm7, $0x330, v0;
	v1 =	vsel vm7, $0x4730, v1  }
0xa: {  	vm10 =	vcmask $0x2724;
	[smem:$0x7FF] =	sst s3;
	s5 =	sadd.s32 $0x19400, s0;
	s6 =	sor.u32 s2, s4;
	v0 =	vsel vm8, $0x3B8, v0;
	v1 =	vsel vm8, $0x47B8, v1  }
0xb: {  	vm11 =	vcmask $0x2B28;
	s9 =	sadd.s32 $0x1000, s1;
	s10 =	sadd.s32 $0x2000, s1;
	s7 =	smul.u32 $0x6400, s6;
	v0 =	vsel vm9, $0x2200, v0;
	v1 =	vsel vm9, $0x6600, v1  }
0xc: {  	s11 =	sadd.s32 $0x3000, s1;
	_ =	strace $0x80000047;
	s8 =	smul.u32 $0xC80, s6;
	v0 =	vsel vm10, $0x2288, v0;
	v1 =	vsel vm10, $0x6688, v1  }
.Ltmp0:
0xd: {  	vm12 =	vcmask $0x2F2C;
	s4 =	sadd.s32 $0x400, s0;
	s29 =	ssub.s32 $0x2, s2;
	v0 =	vsel vm11, $0x2310, v0;
	v1 =	vsel vm11, $0x6710, v1;
	(pc) =	sbr.rel .LBB2_1-.Ltmp0, $4  }
0xe: {  	vm13 =	vcmask $0x3330;
	s2 =	sshrl.u32 s29, $0x1;
	s6 =	smul.u32 $0x19, s6;
	s7 =	sshrl.u32 s7, $0x3;
	v0 =	vsel vm12, $0x2398, v0;
	v1 =	vsel vm12, $0x6798, v1  }
0xf: {  	vm14 =	vcmask $0x3734;
	s0 =	ssub.s32 s29, s2;
	s31 =	sadd.s32 s4, s8;
	s30 =	sadd.s32 s4, s7;
	v0 =	vsel vm13, $0x2420, v0;
	v1 =	vsel vm13, $0x6820, v1  }
0x10: {  	vm15 =	vcmask $0x3B38;
	s12 =	sadd.s32 $0x2, s6;
	[dreg:$0x3] =	wrdreg s31;
	s2 =	sadd.s32 $0x80, s30;
	v0 =	vsel vm14, $0x24A8, v0;
	v1 =	vsel vm14, $0x68A8, v1  }
0x11: {  	s13 =	sadd.s32 $0x3, s6;
	s14 =	smax.u32 s0, $0x1;
	[dreg:$0x4] =	wrdreg s2;
	v0 =	vsel vm15, $0x2530, v0;
	v1 =	vsel vm15, $0x6930, v1  }
.LBB2_39:
0x12: {  	_ =	swait.ge [sflag:s22], $0x2000  }
0x13: {  	[sflag:s22] =	ssyncset.done $0x0  }
0x14: {  	[sflag:s22] =	ssyncadd.s32 $0xFFFFE000  }
0x15: {  	_ =	swait.ge [sflag:s22], $0x2000  }
0x16: {  	[sflag:s22] =	ssyncset.done $0x0  }
0x17: {  	s24 =	sadd.s32 $0x1, s24;
	[sflag:s22] =	ssyncadd.s32 $0xFFFFE000  }
0x18: {  	p0 =	sne.s32 s24, s14;
	_ =	swait.ge [sflag:s22], $0x2000  }
.Ltmp1:
0x19: {  	[sflag:s22] =	ssyncset.done $0x0;
	(pc) =	sbr.rel @!p0 .LBB2_40-.Ltmp1, $4  }
0x1a: {  	[sflag:s22] =	ssyncadd.s32 $0xFFFFE000  }
0x1b: {  	_ =	swait.ge [sflag:s22], $0x2000  }
0x1c: {  	[sflag:s22] =	ssyncset.done $0x0  }
0x1d: {  	[sflag:s22] =	ssyncadd.s32 $0xFFFFE000  }
.LBB2_1:
0x1e: {  	s0 =	rddreg [dreg:$0x3]  }
0x1f: {  	[tilespmem:s3], [sflag:$0x1] =	stream.linear.gather [hbm4b:s0+s3], $0x400, $0x38;
	[tilespmem:$0x19000] =	vst v63  }
0x20: {  	_ =	swait.ge [sflag:s15], $0x400  }
0x21: {  	[sflag:s15] =	ssyncset.done $0x0  }
0x22: {  	s2 =	simm.s32 $0x40;
	s0 =	simm.s32 $0x0;
	[sflag:s15] =	ssyncadd.s32 $0xFFFFFC00  }
.LBB2_2:
0x23: {  	p0 =	sne.s32 s2, $0xFC0;
	v2 =	vld [tilespmem:s0+$0x0];
	_ =	sdelay $0x4  }
0x24: {  	vm0 =	veq.s32 v2, $0xFFFFFF9C  }
0x25: {  	v2 =	vsel vm0, $0x1, v2  }
.Ltmp2:
0x26: {  	v3 =	vshll.u32 v2, $0x2;
	(pc) =	sbr.rel @p0 .LBB2_2-.Ltmp2, $4  }
0x27: {  	v4 =	vand.u32 $0xFFFFF800, v2;
	v2 =	vshrl.u32 v2, $0x9;
	v3 =	vand.u32 $0x7FC, v3  }
0x28: {  	v2 =	vand.u32 $0x3, v2;
	v3 =	vor.u32 v4, v3  }
0x29: {  	v2 =	vor.u32 v2, v3  }
0x2a: {  	[tilespmem:s0+$0x0] =	vst v2;
	s0 =	sshra.s32 s2, $0x2;
	s2 =	sadd.s32 $0x40, s2  }
0x2b: {  	v2 =	vld [tilespmem:s0+$0x0];
	_ =	sdelay $0x4  }
0x2c: {  	vm0 =	veq.s32 v2, $0xFFFFFF9C  }
0x2d: {  	v2 =	vsel vm0, $0x1, v2  }
0x2e: {  	v3 =	vshll.u32 v2, $0x2  }
0x2f: {  	v4 =	vand.u32 $0xFFFFF800, v2;
	v2 =	vshrl.u32 v2, $0x9;
	v3 =	vand.u32 $0x7FC, v3  }
0x30: {  	v2 =	vand.u32 $0x3, v2;
	v3 =	vor.u32 v4, v3  }
.Ltmp3:
0x31: {  	v2 =	vor.u32 v2, v3;
	(pc) =	sbr.rel .LBB2_4-.Ltmp3, $4  }
0x32: {  	s25 =	simm.s32 $0x0;
	[tilespmem:s0+$0x0] =	vst v2  }
0x33: {  	[tilespmem:s17], [sflag:$0x3] =	stream.indirect.gather [hbm4b:s5+s16], $0x20, s25, s16, $0xb8;
	[tilespmem:$0x19000] =	vst v63  }
0x34: {  	s31 =	rddreg [dreg:$0x4]  }
0x35: {  	[tilespmem:s16], [sflag:$0x2] =	stream.linear.gather [hbm4b:s31+s25], $0x400, $0x38;
	[tilespmem:$0x19000] =	vst v63  }
.LBB2_38:
0x36: {  	s25 =	sadd.s32 $0x1, s25  }
0x37: {  	p0 =	sne.s32 s25, $0xD  }
.Ltmp4:
0x38: {  	_ = 	snop;
	(pc) =	sbr.rel @!p0 .LBB2_39-.Ltmp4, $1  }
0x39: {  	_ =	sdelay $0x3  }
.LBB2_4:
0x3a: {  	s28 =	sshllo.u32 s25, $0x1  }
0x3b: {  	p0 =	sgt.u32 s28, $0x18  }
.Ltmp5:
0x3c: {  	_ = 	snop;
	(pc) =	sbr.rel @p0 .LBB2_8-.Ltmp5, $1  }
0x3d: {  	_ =	sdelay $0x3  }
0x3e: {  	_ =	swait.ge [sflag:s18], $0x400  }
0x3f: {  	[sflag:s18] =	ssyncset.done $0x0  }
0x40: {  	s0 =	simm.s32 $0x0;
	s2 =	simm.s32 $0x40;
	[sflag:s18] =	ssyncadd.s32 $0xFFFFFC00  }
.LBB2_6:
0x41: {  	p1 =	sne.s32 s2, $0xFC0;
	v2 =	vld [tilespmem:s0+$0x400];
	_ =	sdelay $0x4  }
0x42: {  	vm0 =	veq.s32 v2, $0xFFFFFF9C  }
0x43: {  	v2 =	vsel vm0, $0x1, v2  }
.Ltmp6:
0x44: {  	v3 =	vshll.u32 v2, $0x2;
	(pc) =	sbr.rel @p1 .LBB2_6-.Ltmp6, $4  }
0x45: {  	v4 =	vand.u32 $0xFFFFF800, v2;
	v2 =	vshrl.u32 v2, $0x9;
	v3 =	vand.u32 $0x7FC, v3  }
0x46: {  	v2 =	vand.u32 $0x3, v2;
	v3 =	vor.u32 v4, v3  }
0x47: {  	v2 =	vor.u32 v2, v3  }
0x48: {  	[tilespmem:s0+$0x400] =	vst v2;
	s0 =	sshra.s32 s2, $0x2;
	s2 =	sadd.s32 $0x40, s2  }
0x49: {  	v2 =	vld [tilespmem:s0+$0x400];
	_ =	sdelay $0x4  }
0x4a: {  	vm0 =	veq.s32 v2, $0xFFFFFF9C  }
0x4b: {  	v2 =	vsel vm0, $0x1, v2  }
0x4c: {  	v3 =	vshll.u32 v2, $0x2  }
0x4d: {  	v4 =	vand.u32 $0xFFFFF800, v2;
	v2 =	vshrl.u32 v2, $0x9;
	v3 =	vand.u32 $0x7FC, v3  }
0x4e: {  	v2 =	vand.u32 $0x3, v2;
	v3 =	vor.u32 v4, v3  }
0x4f: {  	v2 =	vor.u32 v2, v3  }
.Ltmp7:
0x50: {  	[tilespmem:s0+$0x400] =	vst v2;
	(pc) =	sbr.rel .LBB2_9-.Ltmp7, $4  }
0x51: {  	_ =	swait.ge [sflag:s19], $0x8000  }
0x52: {  	[sflag:s19] =	ssyncset.done $0x0  }
0x53: {  	[sflag:s19] =	ssyncadd.s32 $0xFFFF8000  }
0x54: {  	[tilespmem:s20], [sflag:$0x4] =	stream.indirect.gather [hbm4b:s5+s16], $0x20, s16, s16, $0xb8;
	[tilespmem:$0x19000] =	vst v63  }
.LBB2_8:
0x55: {  	_ =	swait.ge [sflag:s19], $0x8000  }
0x56: {  	[sflag:s19] =	ssyncset.done $0x0  }
0x57: {  	[sflag:s19] =	ssyncadd.s32 $0xFFFF8000  }
.LBB2_9:
0x58: {  	p1 =	seq.s32 s25, $0x0  }
0x59: {  	s0 =	simm.s32 @!p1 $0x5  }
0x5a: {  	_ =	swait.ge @!p1 [sflag:s0], $0x2000  }
0x5b: {  	[sflag:s0] =	ssyncset.done @!p1 $0x0  }
0x5c: {  	[sflag:s0] =	ssyncadd.s32 @!p1 $0xFFFFE000  }
0x5d: {  	_ =	swait.ge @!p1 [sflag:s0], $0x2000  }
0x5e: {  	[sflag:s0] =	ssyncset.done @!p1 $0x0  }
0x5f: {  	[sflag:s0] =	ssyncadd.s32 @!p1 $0xFFFFE000  }
0x60: {  	_ =	swait.ge @!p1 [sflag:s0], $0x2000  }
0x61: {  	[sflag:s0] =	ssyncset.done @!p1 $0x0  }
0x62: {  	[sflag:s0] =	ssyncadd.s32 @!p1 $0xFFFFE000  }
0x63: {  	_ =	swait.ge @!p1 [sflag:s0], $0x2000  }
0x64: {  	s26 =	sshll.u32 s25, $0x1;
	s29 =	simm.s32 $0x0;
	[sflag:s0] =	ssyncset.done @!p1 $0x0  }
0x65: {  	s2 =	simm.s32 $0x840;
	s31 =	simm.s32 $0x0;
	[sflag:s0] =	ssyncadd.s32 @!p1 $0xFFFFE000  }
.LBB2_10:
0x66: {  	v2 =	vmov s31  }
0x67: {  	v2 =	vmul.u32 $0x440, v2;
	_ =	sdelay $0x1  }
0x68: {  	s0 =	simm.s32 $0x3;
	v4 =	vmov s29;
	v2 =	vbroadcast v2, $0x0  }
0x69: {  	v5 =	vmov s0;
	v6 =	vand.u32 $0x4, v4  }
0x6a: {  	s7 =	simm.s32 $0x1;
	v4 =	vand.u32 $0x78, v4;
	v7 =	vand.u32 $0x78, v5;
	v3 =	vadd.s32 v0, v2  }
0x6b: {  	v9 =	vmov s7;
	v5 =	vand.u32 $0x7, v5;
	v8 =	vadd.s32 v3, v7  }
0x6c: {  	s8 =	simm.s32 $0x2;
	v11 =	vld [tilespmem:s2+$0x20];
	v2 =	vadd.s32 v1, v2;
	v10 =	vadd.s32 v3, v4;
	v8 =	vor.u32 v5, v8  }
0x6d: {  	v16 =	vld [tilespmem:s2+$0xFFFFFFC0];
	v13 =	vmov s8;
	v7 =	vadd.s32 v2, v7;
	v17 =	vor.u32 v6, v10  }
0x6e: {  	v14 =	vld [tilespmem:s2+$0x30];
	v4 =	vadd.s32 v2, v4;
	v15 =	vor.u32 v5, v7;
	v5 =	vand.u32 $0x78, v9  }
0x6f: {  	v10 =	vld [tilespmem:s2+$0xFFFFFFD0];
	v12 =	vor.u32 v6, v4;
	v6 =	vand.u32 $0x5, v9;
	v4 =	vadd.s32 v3, v5  }
0x70: {  	v18 =	vand.u32 $0x78, v13;
	v7 =	vld [tilespmem:s2+$0xFFFFFFE0];
	v5 =	vadd.s32 v2, v5;
	v9 =	vor.u32 v6, v4  }
0x71: {  	v13 =	vand.u32 $0x6, v13;
	v19 =	vadd.s32 v3, v18;
	v4 =	vld [tilespmem:s2+$0xFFFFFFF0];
	v5 =	vor.u32 v6, v5;
	[tilespmem:v8+s21+$0x0] =	vst.idx.msk $0xffff, v11  }
0x72: {  	s0 =	simm.s32 $0x4;
	s7 =	simm.s32 $0x7;
	v18 =	vadd.s32 v2, v18;
	v6 =	vld [tilespmem:s2+$0x0];
	v8 =	vor.u32 v13, v19;
	[tilespmem:v17+s21+$0x0] =	vst.idx.msk $0xffff, v16  }
0x73: {  	s30 =	smov.u32 s2;
	v11 =	vld [tilespmem:s2+$0x10];
	v13 =	vor.u32 v13, v18;
	[tilespmem:v15+s21+$0x0] =	vst.idx.msk $0xffff, v14;
	v15 =	vmov s0;
	v14 =	vmov s7;
	s7 =	simm.s32 $0x8  }
.LBB2_11:
0x74: {  	p1 =	slt.u32 s7, $0x7C;
	v16 =	vand.u32 $0x4, v15;
	v17 =	vand.u32 $0x78, v14;
	[tilespmem:v12+s21+$0x0] =	vst.idx.msk $0xffff, v10  }
0x75: {  	v10 =	vand.u32 $0x78, v15;
	s8 =	sadd.s32 $0x1, s0;
	v12 =	vand.u32 $0x7, v14;
	s30 =	sadd.s32 $0x80, s30;
	v14 =	vadd.s32 v3, v17;
	[tilespmem:v9+s21+$0x0] =	vst.idx.msk $0xffff, v7  }
0x76: {  	v7 =	vmov s8;
	s8 =	sadd.s32 $0x2, s0;
	v9 =	vadd.s32 v2, v17;
	s0 =	smov.u32 s7;
	v15 =	vld [tilespmem:s30+$0x20];
	v14 =	vor.u32 v12, v14;
	[tilespmem:v5+s21+$0x0] =	vst.idx.msk $0xffff, v4  }
0x77: {  	v4 =	vadd.s32 v3, v10;
	v17 =	vmov s8;
	v19 =	vor.u32 v12, v9;
	v18 =	vld [tilespmem:s30+$0x30];
	[tilespmem:v8+s21+$0x0] =	vst.idx.msk $0xffff, v6  }
0x78: {  	v5 =	vand.u32 $0x78, v7;
	v21 =	vor.u32 v16, v4;
	v4 =	vadd.s32 v2, v10;
	v20 =	vld [tilespmem:s30+$0xFFFFFFC0];
	[tilespmem:v13+s21+$0x0] =	vst.idx.msk $0xffff, v11  }
.Ltmp8:
0x79: {  	v6 =	vand.u32 $0x5, v7;
	v12 =	vor.u32 v16, v4;
	v4 =	vadd.s32 v3, v5;
	v10 =	vld [tilespmem:s30+$0xFFFFFFD0];
	(pc) =	sbr.rel @p1 .LBB2_11-.Ltmp8, $4  }
0x7a: {  	v5 =	vadd.s32 v2, v5;
	v11 =	vand.u32 $0x78, v17;
	v9 =	vor.u32 v6, v4;
	v7 =	vld [tilespmem:s30+$0xFFFFFFE0]  }
0x7b: {  	v13 =	vand.u32 $0x6, v17;
	v5 =	vor.u32 v6, v5;
	v8 =	vadd.s32 v3, v11;
	v4 =	vld [tilespmem:s30+$0xFFFFFFF0];
	[tilespmem:v14+s21+$0x0] =	vst.idx.msk $0xffff, v15  }
0x7c: {  	s8 =	sadd.s32 $0x3, s7;
	v16 =	vadd.s32 v2, v11;
	v8 =	vor.u32 v13, v8;
	v6 =	vld [tilespmem:s30+$0x0];
	[tilespmem:v19+s21+$0x0] =	vst.idx.msk $0xffff, v18  }
0x7d: {  	s7 =	sadd.s32 $0x4, s7;
	v13 =	vor.u32 v13, v16;
	v15 =	vmov s0;
	v14 =	vmov s8;
	[tilespmem:v21+s21+$0x0] =	vst.idx.msk $0xffff, v20;
	v11 =	vld [tilespmem:s30+$0x10]  }
0x7e: {  	_ =	sdelay $0x2  }
0x7f: {  	v16 =	vand.u32 $0x4, v15;
	v17 =	vand.u32 $0x78, v14;
	v44 =	vand.u32 $0x78, v15;
	s7 =	sadd.s32 $0x1, s0  }
0x80: {  	v45 =	vand.u32 $0x7, v14;
	s8 =	sadd.s32 $0x80, s30;
	[tilespmem:v12+s21+$0x0] =	vst.idx.msk $0xffff, v10;
	v18 =	vadd.s32 v3, v17;
	v46 =	vmov s7  }
0x81: {  	s30 =	sadd.s32 $0x2, s0;
	v47 =	vld [tilespmem:s8+$0x20];
	v17 =	vadd.s32 v2, v17;
	v48 =	vadd.s32 v3, v44;
	v18 =	vor.u32 v45, v18  }
0x82: {  	[tilespmem:v9+s21+$0x0] =	vst.idx.msk $0xffff, v7;
	v49 =	vmov s30;
	v51 =	vld [tilespmem:s8+$0xFFFFFFC0];
	v53 =	vadd.s32 v2, v44;
	v52 =	vor.u32 v16, v48  }
0x83: {  	v50 =	vld [tilespmem:s8+$0x30];
	v14 =	vor.u32 v45, v17;
	[tilespmem:v5+s21+$0x0] =	vst.idx.msk $0xffff, v4;
	v54 =	vand.u32 $0x78, v46;
	v7 =	vor.u32 v16, v53  }
0x84: {  	v55 =	vld [tilespmem:s8+$0xFFFFFFD0];
	v56 =	vand.u32 $0x5, v46;
	v60 =	vand.u32 $0x78, v49;
	[tilespmem:v8+s21+$0x0] =	vst.idx.msk $0xffff, v6;
	v57 =	vadd.s32 v3, v54  }
0x85: {  	v58 =	vld [tilespmem:s8+$0xFFFFFFE0];
	v9 =	vand.u32 $0x6, v49;
	v3 =	vadd.s32 v3, v60;
	[tilespmem:v13+s21+$0x0] =	vst.idx.msk $0xffff, v11;
	v10 =	vor.u32 v56, v57  }
0x86: {  	v62 =	vld [tilespmem:s8+$0x0];
	v59 =	vadd.s32 v2, v54;
	v3 =	vor.u32 v9, v3;
	[tilespmem:v18+s21+$0x0] =	vst.idx.msk $0xffff, v47  }
0x87: {  	s31 =	sadd.s32 $0x1, s31;
	v61 =	vld [tilespmem:s8+$0xFFFFFFF0];
	v2 =	vadd.s32 v2, v60;
	v8 =	vor.u32 v56, v59;
	[tilespmem:v52+s21+$0x0] =	vst.idx.msk $0xffff, v51  }
0x88: {  	v63 =	vld [tilespmem:s8+$0x10];
	p1 =	sne.s32 s31, $0x8;
	v2 =	vor.u32 v9, v2;
	[tilespmem:v14+s21+$0x0] =	vst.idx.msk $0xffff, v50  }
.Ltmp9:
0x89: {  	[tilespmem:v7+s21+$0x0] =	vst.idx.msk $0xffff, v55;
	(pc) =	sbr.rel @p1 .LBB2_10-.Ltmp9, $4  }
0x8a: {  	[tilespmem:v10+s21+$0x0] =	vst.idx.msk $0xffff, v58  }
0x8b: {  	[tilespmem:v3+s21+$0x0] =	vst.idx.msk $0xffff, v62  }
0x8c: {  	[tilespmem:v8+s21+$0x0] =	vst.idx.msk $0xffff, v61  }
0x8d: {  	s2 =	sadd.s32 $0x1000, s2;
	[tilespmem:v2+s21+$0x0] =	vst.idx.msk $0xffff, v63  }
0x8e: {  	s0 =	sadd.s32 s6, s26  }
0x8f: {  	s2 =	sshll.u32 s0, $0xA;
	s0 =	sshll.u32 s0, $0xC  }
0x90: {  	s2 =	sand.u32 $0xC00, s2;
	s0 =	sand.u32 $0xFFFC000, s0  }
0x91: {  	s0 =	sor.u32 s2, s0  }
0x92: {  	s7 =	simm.s32 $0x10800;
	s2 =	sadd.s32 s1, s0  }
0x93: {  	s29 =	simm.s32 $0x10;
	s30 =	simm.s32 $0x10888;
	s31 =	sadd.s32 $0x0, s2  }
.LBB2_14:
0x94: {  	[hbm4b:s31+s3] =	stream.linear.scatter [tilespmem:s7], [sflag:$0x5], $0x80, $0x38;
	[tilespmem:$0x19000] =	vst v63  }
0x95: {  	s8 =	smov.u32 s29;
	s7 =	smov.u32 s30;
	p1 =	sne.s32 s29, $0x3F0  }
.Ltmp10:
0x96: {  	s29 =	sadd.s32 $0x10, s29;
	(pc) =	sbr.rel @p1 .LBB2_14-.Ltmp10, $2  }
0x97: {  	_ =	sdelay $0x2  }
0x98: {  	s30 =	sadd.s32 $0x88, s30;
	s31 =	sadd.s32 s8, s2  }
0x99: {  	[hbm4b:s31+s3] =	stream.linear.scatter [tilespmem:s7], [sflag:$0x5], $0x80, $0x38;
	[tilespmem:$0x19000] =	vst v63  }
0x9a: {  	s2 =	sadd.s32 s0, s9;
	s7 =	simm.s32 $0x12A00  }
0x9b: {  	s29 =	simm.s32 $0x10;
	s30 =	simm.s32 $0x12A88;
	s31 =	sadd.s32 $0x0, s2  }
.LBB2_16:
0x9c: {  	[hbm4b:s31+s3] =	stream.linear.scatter [tilespmem:s7], [sflag:$0x5], $0x80, $0x38;
	[tilespmem:$0x19000] =	vst v63  }
0x9d: {  	s8 =	smov.u32 s29;
	s7 =	smov.u32 s30;
	p1 =	sne.s32 s29, $0x3F0  }
.Ltmp11:
0x9e: {  	s29 =	sadd.s32 $0x10, s29;
	(pc) =	sbr.rel @p1 .LBB2_16-.Ltmp11, $2  }
0x9f: {  	_ =	sdelay $0x2  }
0xa0: {  	s30 =	sadd.s32 $0x88, s30;
	s31 =	sadd.s32 s8, s2  }
0xa1: {  	[hbm4b:s31+s3] =	stream.linear.scatter [tilespmem:s7], [sflag:$0x5], $0x80, $0x38;
	[tilespmem:$0x19000] =	vst v63  }
0xa2: {  	s2 =	sadd.s32 s0, s10;
	s7 =	simm.s32 $0x14C00  }
0xa3: {  	s29 =	simm.s32 $0x10;
	s30 =	simm.s32 $0x14C88;
	s31 =	sadd.s32 $0x0, s2  }
.LBB2_18:
0xa4: {  	[hbm4b:s31+s3] =	stream.linear.scatter [tilespmem:s7], [sflag:$0x5], $0x80, $0x38;
	[tilespmem:$0x19000] =	vst v63  }
0xa5: {  	s8 =	smov.u32 s29;
	s7 =	smov.u32 s30;
	p1 =	sne.s32 s29, $0x3F0  }
.Ltmp12:
0xa6: {  	s29 =	sadd.s32 $0x10, s29;
	(pc) =	sbr.rel @p1 .LBB2_18-.Ltmp12, $2  }
0xa7: {  	_ =	sdelay $0x2  }
0xa8: {  	s30 =	sadd.s32 $0x88, s30;
	s31 =	sadd.s32 s8, s2  }
0xa9: {  	[hbm4b:s31+s3] =	stream.linear.scatter [tilespmem:s7], [sflag:$0x5], $0x80, $0x38;
	[tilespmem:$0x19000] =	vst v63  }
0xaa: {  	s0 =	sadd.s32 s0, s11;
	s2 =	simm.s32 $0x16E00  }
0xab: {  	s7 =	simm.s32 $0x10;
	s29 =	simm.s32 $0x16E88;
	s30 =	sadd.s32 $0x0, s0  }
.LBB2_20:
0xac: {  	[hbm4b:s30+s3] =	stream.linear.scatter [tilespmem:s2], [sflag:$0x5], $0x80, $0x38;
	[tilespmem:$0x19000] =	vst v63  }
0xad: {  	s8 =	smov.u32 s7;
	s2 =	smov.u32 s29;
	p1 =	sne.s32 s7, $0x3F0  }
.Ltmp13:
0xae: {  	s7 =	sadd.s32 $0x10, s7;
	(pc) =	sbr.rel @p1 .LBB2_20-.Ltmp13, $2  }
0xaf: {  	_ =	sdelay $0x2  }
0xb0: {  	s29 =	sadd.s32 $0x88, s29;
	s30 =	sadd.s32 s8, s0  }
0xb1: {  	p1 =	seq.s32 s25, $0xC  }
.Ltmp14:
0xb2: {  	_ = 	snop;
	(pc) =	sbr.rel @p1 .LBB2_39-.Ltmp14, $2  }
0xb3: {  	_ =	sdelay $0x2  }
0xb4: {  	[hbm4b:s30+s3] =	stream.linear.scatter [tilespmem:s2], [sflag:$0x5], $0x80, $0x38;
	[tilespmem:$0x19000] =	vst v63  }
.Ltmp15:
0xb5: {  	s0 =	sadd.s32 s26, s12;
	(pc) =	sbr.rel @p0 .LBB2_38-.Ltmp15, $4  }
0xb6: {  	s0 =	sshll.u32 s0, $0x7  }
0xb7: {  	s0 =	sand.u32 $0x1FFFFF80, s0  }
0xb8: {  	s0 =	sadd.s32 s4, s0  }
0xb9: {  	[tilespmem:s3], [sflag:$0x1] =	stream.linear.gather [hbm4b:s0+s3], $0x400, $0x38;
	[tilespmem:$0x19000] =	vst v63  }
0xba: {  	_ =	swait.ge [sflag:s15], $0x400  }
0xbb: {  	[sflag:s15] =	ssyncset.done $0x0  }
0xbc: {  	s0 =	simm.s32 $0x0;
	s2 =	simm.s32 $0x40;
	[sflag:s15] =	ssyncadd.s32 $0xFFFFFC00  }
.LBB2_24:
0xbd: {  	p0 =	sne.s32 s2, $0xFC0;
	v2 =	vld [tilespmem:s0+$0x0];
	_ =	sdelay $0x4  }
0xbe: {  	vm0 =	veq.s32 v2, $0xFFFFFF9C  }
0xbf: {  	v2 =	vsel vm0, $0x1, v2  }
.Ltmp16:
0xc0: {  	v3 =	vshll.u32 v2, $0x2;
	(pc) =	sbr.rel @p0 .LBB2_24-.Ltmp16, $4  }
0xc1: {  	v4 =	vand.u32 $0xFFFFF800, v2;
	v2 =	vshrl.u32 v2, $0x9;
	v3 =	vand.u32 $0x7FC, v3  }
0xc2: {  	v2 =	vand.u32 $0x3, v2;
	v3 =	vor.u32 v4, v3  }
0xc3: {  	v2 =	vor.u32 v2, v3  }
0xc4: {  	[tilespmem:s0+$0x0] =	vst v2;
	s0 =	sshra.s32 s2, $0x2;
	s2 =	sadd.s32 $0x40, s2  }
0xc5: {  	v2 =	vld [tilespmem:s0+$0x0];
	_ =	sdelay $0x4  }
0xc6: {  	vm0 =	veq.s32 v2, $0xFFFFFF9C  }
0xc7: {  	v2 =	vsel vm0, $0x1, v2  }
0xc8: {  	v3 =	vshll.u32 v2, $0x2  }
0xc9: {  	v4 =	vand.u32 $0xFFFFF800, v2;
	v2 =	vshrl.u32 v2, $0x9;
	v3 =	vand.u32 $0x7FC, v3  }
0xca: {  	v2 =	vand.u32 $0x3, v2;
	v3 =	vor.u32 v4, v3  }
0xcb: {  	v2 =	vor.u32 v2, v3  }
0xcc: {  	[tilespmem:s0+$0x0] =	vst v2  }
0xcd: {  	_ =	swait.ge [sflag:s23], $0x8000  }
0xce: {  	[sflag:s23] =	ssyncset.done $0x0  }
0xcf: {  	s29 =	simm.s32 $0x0;
	[sflag:s23] =	ssyncadd.s32 $0xFFFF8000  }
0xd0: {  	[tilespmem:s17], [sflag:$0x3] =	stream.indirect.gather [hbm4b:s5+s16], $0x20, s29, s16, $0xb8;
	[tilespmem:$0x19000] =	vst v63  }
0xd1: {  	_ =	swait.ge [sflag:s22], $0x2000  }
0xd2: {  	[sflag:s22] =	ssyncset.done $0x0  }
0xd3: {  	[sflag:s22] =	ssyncadd.s32 $0xFFFFE000  }
0xd4: {  	_ =	swait.ge [sflag:s22], $0x2000  }
0xd5: {  	[sflag:s22] =	ssyncset.done $0x0  }
0xd6: {  	[sflag:s22] =	ssyncadd.s32 $0xFFFFE000  }
0xd7: {  	_ =	swait.ge [sflag:s22], $0x2000  }
0xd8: {  	[sflag:s22] =	ssyncset.done $0x0  }
0xd9: {  	[sflag:s22] =	ssyncadd.s32 $0xFFFFE000  }
0xda: {  	_ =	swait.ge [sflag:s22], $0x2000  }
0xdb: {  	[sflag:s22] =	ssyncset.done $0x0  }
0xdc: {  	s30 =	simm.s32 $0x8840;
	s31 =	simm.s32 $0x0;
	[sflag:s22] =	ssyncadd.s32 $0xFFFFE000  }
.LBB2_26:
0xdd: {  	v2 =	vmov s31  }
0xde: {  	v2 =	vmul.u32 $0x440, v2;
	_ =	sdelay $0x1  }
0xdf: {  	s0 =	simm.s32 $0x3;
	v4 =	vmov s29;
	v2 =	vbroadcast v2, $0x0  }
0xe0: {  	v5 =	vmov s0;
	v6 =	vand.u32 $0x4, v4  }
0xe1: {  	s7 =	simm.s32 $0x1;
	v4 =	vand.u32 $0x78, v4;
	v7 =	vand.u32 $0x78, v5;
	v3 =	vadd.s32 v0, v2  }
0xe2: {  	v9 =	vmov s7;
	v5 =	vand.u32 $0x7, v5;
	v8 =	vadd.s32 v3, v7  }
0xe3: {  	s8 =	simm.s32 $0x2;
	v11 =	vld [tilespmem:s30+$0x20];
	v2 =	vadd.s32 v1, v2;
	v10 =	vadd.s32 v3, v4;
	v8 =	vor.u32 v5, v8  }
0xe4: {  	v16 =	vld [tilespmem:s30+$0xFFFFFFC0];
	v13 =	vmov s8;
	v7 =	vadd.s32 v2, v7;
	v17 =	vor.u32 v6, v10  }
0xe5: {  	v14 =	vld [tilespmem:s30+$0x30];
	v4 =	vadd.s32 v2, v4;
	v15 =	vor.u32 v5, v7;
	v5 =	vand.u32 $0x78, v9  }
0xe6: {  	v10 =	vld [tilespmem:s30+$0xFFFFFFD0];
	v12 =	vor.u32 v6, v4;
	v6 =	vand.u32 $0x5, v9;
	v4 =	vadd.s32 v3, v5  }
0xe7: {  	v18 =	vand.u32 $0x78, v13;
	v7 =	vld [tilespmem:s30+$0xFFFFFFE0];
	v5 =	vadd.s32 v2, v5;
	v9 =	vor.u32 v6, v4  }
0xe8: {  	v13 =	vand.u32 $0x6, v13;
	v19 =	vadd.s32 v3, v18;
	v4 =	vld [tilespmem:s30+$0xFFFFFFF0];
	v5 =	vor.u32 v6, v5;
	[tilespmem:v8+s21+$0x0] =	vst.idx.msk $0xffff, v11  }
0xe9: {  	s2 =	simm.s32 $0x7;
	s0 =	simm.s32 $0x4;
	v18 =	vadd.s32 v2, v18;
	v6 =	vld [tilespmem:s30+$0x0];
	v8 =	vor.u32 v13, v19;
	[tilespmem:v17+s21+$0x0] =	vst.idx.msk $0xffff, v16  }
0xea: {  	s7 =	simm.s32 $0x8;
	v11 =	vld [tilespmem:s30+$0x10];
	v13 =	vor.u32 v13, v18;
	[tilespmem:v15+s21+$0x0] =	vst.idx.msk $0xffff, v14;
	v15 =	vmov s0;
	v14 =	vmov s2;
	s2 =	smov.u32 s30  }
.LBB2_27:
0xeb: {  	p0 =	slt.u32 s7, $0x7C;
	v16 =	vand.u32 $0x4, v15;
	v17 =	vand.u32 $0x78, v14;
	[tilespmem:v12+s21+$0x0] =	vst.idx.msk $0xffff, v10  }
0xec: {  	v10 =	vand.u32 $0x78, v15;
	s8 =	sadd.s32 $0x1, s0;
	v12 =	vand.u32 $0x7, v14;
	s2 =	sadd.s32 $0x80, s2;
	v14 =	vadd.s32 v3, v17;
	[tilespmem:v9+s21+$0x0] =	vst.idx.msk $0xffff, v7  }
0xed: {  	v7 =	vmov s8;
	s8 =	sadd.s32 $0x2, s0;
	v9 =	vadd.s32 v2, v17;
	s0 =	smov.u32 s7;
	v15 =	vld [tilespmem:s2+$0x20];
	v14 =	vor.u32 v12, v14;
	[tilespmem:v5+s21+$0x0] =	vst.idx.msk $0xffff, v4  }
0xee: {  	v4 =	vadd.s32 v3, v10;
	v17 =	vmov s8;
	v19 =	vor.u32 v12, v9;
	v18 =	vld [tilespmem:s2+$0x30];
	[tilespmem:v8+s21+$0x0] =	vst.idx.msk $0xffff, v6  }
0xef: {  	v5 =	vand.u32 $0x78, v7;
	v21 =	vor.u32 v16, v4;
	v4 =	vadd.s32 v2, v10;
	v20 =	vld [tilespmem:s2+$0xFFFFFFC0];
	[tilespmem:v13+s21+$0x0] =	vst.idx.msk $0xffff, v11  }
.Ltmp17:
0xf0: {  	v6 =	vand.u32 $0x5, v7;
	v12 =	vor.u32 v16, v4;
	v4 =	vadd.s32 v3, v5;
	v10 =	vld [tilespmem:s2+$0xFFFFFFD0];
	(pc) =	sbr.rel @p0 .LBB2_27-.Ltmp17, $4  }
0xf1: {  	v5 =	vadd.s32 v2, v5;
	v11 =	vand.u32 $0x78, v17;
	v9 =	vor.u32 v6, v4;
	v7 =	vld [tilespmem:s2+$0xFFFFFFE0]  }
0xf2: {  	v13 =	vand.u32 $0x6, v17;
	v5 =	vor.u32 v6, v5;
	v8 =	vadd.s32 v3, v11;
	v4 =	vld [tilespmem:s2+$0xFFFFFFF0];
	[tilespmem:v14+s21+$0x0] =	vst.idx.msk $0xffff, v15  }
0xf3: {  	s8 =	sadd.s32 $0x3, s7;
	v16 =	vadd.s32 v2, v11;
	v8 =	vor.u32 v13, v8;
	v6 =	vld [tilespmem:s2+$0x0];
	[tilespmem:v19+s21+$0x0] =	vst.idx.msk $0xffff, v18  }
0xf4: {  	s7 =	sadd.s32 $0x4, s7;
	v13 =	vor.u32 v13, v16;
	v15 =	vmov s0;
	v14 =	vmov s8;
	[tilespmem:v21+s21+$0x0] =	vst.idx.msk $0xffff, v20;
	v11 =	vld [tilespmem:s2+$0x10]  }
0xf5: {  	_ =	sdelay $0x2  }
0xf6: {  	v16 =	vand.u32 $0x4, v15;
	v17 =	vand.u32 $0x78, v14;
	v44 =	vand.u32 $0x78, v15;
	s7 =	sadd.s32 $0x1, s0  }
0xf7: {  	v45 =	vand.u32 $0x7, v14;
	s2 =	sadd.s32 $0x80, s2;
	[tilespmem:v12+s21+$0x0] =	vst.idx.msk $0xffff, v10;
	v18 =	vadd.s32 v3, v17;
	v46 =	vmov s7  }
0xf8: {  	s8 =	sadd.s32 $0x2, s0;
	v47 =	vld [tilespmem:s2+$0x20];
	v17 =	vadd.s32 v2, v17;
	v48 =	vadd.s32 v3, v44;
	v18 =	vor.u32 v45, v18  }
0xf9: {  	[tilespmem:v9+s21+$0x0] =	vst.idx.msk $0xffff, v7;
	v49 =	vmov s8;
	v51 =	vld [tilespmem:s2+$0xFFFFFFC0];
	v53 =	vadd.s32 v2, v44;
	v52 =	vor.u32 v16, v48  }
0xfa: {  	v50 =	vld [tilespmem:s2+$0x30];
	v14 =	vor.u32 v45, v17;
	[tilespmem:v5+s21+$0x0] =	vst.idx.msk $0xffff, v4;
	v54 =	vand.u32 $0x78, v46;
	v7 =	vor.u32 v16, v53  }
0xfb: {  	v55 =	vld [tilespmem:s2+$0xFFFFFFD0];
	v56 =	vand.u32 $0x5, v46;
	v60 =	vand.u32 $0x78, v49;
	[tilespmem:v8+s21+$0x0] =	vst.idx.msk $0xffff, v6;
	v57 =	vadd.s32 v3, v54  }
0xfc: {  	v58 =	vld [tilespmem:s2+$0xFFFFFFE0];
	v9 =	vand.u32 $0x6, v49;
	v3 =	vadd.s32 v3, v60;
	[tilespmem:v13+s21+$0x0] =	vst.idx.msk $0xffff, v11;
	v10 =	vor.u32 v56, v57  }
0xfd: {  	v62 =	vld [tilespmem:s2+$0x0];
	v59 =	vadd.s32 v2, v54;
	v3 =	vor.u32 v9, v3;
	[tilespmem:v18+s21+$0x0] =	vst.idx.msk $0xffff, v47  }
0xfe: {  	s31 =	sadd.s32 $0x1, s31;
	v61 =	vld [tilespmem:s2+$0xFFFFFFF0];
	v2 =	vadd.s32 v2, v60;
	v8 =	vor.u32 v56, v59;
	[tilespmem:v52+s21+$0x0] =	vst.idx.msk $0xffff, v51  }
0xff: {  	v63 =	vld [tilespmem:s2+$0x10];
	p0 =	sne.s32 s31, $0x8;
	v2 =	vor.u32 v9, v2;
	[tilespmem:v14+s21+$0x0] =	vst.idx.msk $0xffff, v50  }
.Ltmp18:
0x100: {  	[tilespmem:v7+s21+$0x0] =	vst.idx.msk $0xffff, v55;
	(pc) =	sbr.rel @p0 .LBB2_26-.Ltmp18, $4  }
0x101: {  	[tilespmem:v10+s21+$0x0] =	vst.idx.msk $0xffff, v58  }
0x102: {  	[tilespmem:v3+s21+$0x0] =	vst.idx.msk $0xffff, v62  }
0x103: {  	[tilespmem:v8+s21+$0x0] =	vst.idx.msk $0xffff, v61  }
0x104: {  	s30 =	sadd.s32 $0x1000, s30;
	[tilespmem:v2+s21+$0x0] =	vst.idx.msk $0xffff, v63  }
0x105: {  	s0 =	sadd.s32 s6, s28  }
0x106: {  	s2 =	sshll.u32 s0, $0xA;
	s0 =	sshll.u32 s0, $0xC  }
0x107: {  	s2 =	sand.u32 $0xC00, s2;
	s0 =	sand.u32 $0xFFFC000, s0  }
0x108: {  	s0 =	sor.u32 s2, s0  }
0x109: {  	s7 =	simm.s32 $0x10800;
	s2 =	sadd.s32 s1, s0  }
0x10a: {  	s28 =	simm.s32 $0x10;
	s29 =	simm.s32 $0x10888;
	s30 =	sadd.s32 $0x0, s2  }
.LBB2_30:
0x10b: {  	[hbm4b:s30+s3] =	stream.linear.scatter [tilespmem:s7], [sflag:$0x5], $0x80, $0x38;
	[tilespmem:$0x19000] =	vst v63  }
0x10c: {  	s8 =	smov.u32 s28;
	s7 =	smov.u32 s29;
	p0 =	sne.s32 s28, $0x3F0  }
.Ltmp19:
0x10d: {  	s28 =	sadd.s32 $0x10, s28;
	(pc) =	sbr.rel @p0 .LBB2_30-.Ltmp19, $2  }
0x10e: {  	_ =	sdelay $0x2  }
0x10f: {  	s29 =	sadd.s32 $0x88, s29;
	s30 =	sadd.s32 s8, s2  }
0x110: {  	[hbm4b:s30+s3] =	stream.linear.scatter [tilespmem:s7], [sflag:$0x5], $0x80, $0x38;
	[tilespmem:$0x19000] =	vst v63  }
0x111: {  	s2 =	sadd.s32 s0, s9;
	s7 =	simm.s32 $0x12A00  }
0x112: {  	s28 =	simm.s32 $0x10;
	s29 =	simm.s32 $0x12A88;
	s30 =	sadd.s32 $0x0, s2  }
.LBB2_32:
0x113: {  	[hbm4b:s30+s3] =	stream.linear.scatter [tilespmem:s7], [sflag:$0x5], $0x80, $0x38;
	[tilespmem:$0x19000] =	vst v63  }
0x114: {  	s8 =	smov.u32 s28;
	s7 =	smov.u32 s29;
	p0 =	sne.s32 s28, $0x3F0  }
.Ltmp20:
0x115: {  	s28 =	sadd.s32 $0x10, s28;
	(pc) =	sbr.rel @p0 .LBB2_32-.Ltmp20, $2  }
0x116: {  	_ =	sdelay $0x2  }
0x117: {  	s29 =	sadd.s32 $0x88, s29;
	s30 =	sadd.s32 s8, s2  }
0x118: {  	[hbm4b:s30+s3] =	stream.linear.scatter [tilespmem:s7], [sflag:$0x5], $0x80, $0x38;
	[tilespmem:$0x19000] =	vst v63  }
0x119: {  	s2 =	sadd.s32 s0, s10;
	s7 =	simm.s32 $0x14C00  }
0x11a: {  	s28 =	simm.s32 $0x10;
	s29 =	simm.s32 $0x14C88;
	s30 =	sadd.s32 $0x0, s2  }
.LBB2_34:
0x11b: {  	[hbm4b:s30+s3] =	stream.linear.scatter [tilespmem:s7], [sflag:$0x5], $0x80, $0x38;
	[tilespmem:$0x19000] =	vst v63  }
0x11c: {  	s8 =	smov.u32 s28;
	s7 =	smov.u32 s29;
	p0 =	sne.s32 s28, $0x3F0  }
.Ltmp21:
0x11d: {  	s28 =	sadd.s32 $0x10, s28;
	(pc) =	sbr.rel @p0 .LBB2_34-.Ltmp21, $2  }
0x11e: {  	_ =	sdelay $0x2  }
0x11f: {  	s29 =	sadd.s32 $0x88, s29;
	s30 =	sadd.s32 s8, s2  }
0x120: {  	[hbm4b:s30+s3] =	stream.linear.scatter [tilespmem:s7], [sflag:$0x5], $0x80, $0x38;
	[tilespmem:$0x19000] =	vst v63  }
0x121: {  	s0 =	sadd.s32 s0, s11;
	s2 =	simm.s32 $0x16E00  }
0x122: {  	s7 =	simm.s32 $0x10;
	s28 =	simm.s32 $0x16E88;
	s29 =	sadd.s32 $0x0, s0  }
.LBB2_36:
0x123: {  	[hbm4b:s29+s3] =	stream.linear.scatter [tilespmem:s2], [sflag:$0x5], $0x80, $0x38;
	[tilespmem:$0x19000] =	vst v63  }
0x124: {  	s8 =	smov.u32 s7;
	s2 =	smov.u32 s28;
	p0 =	sne.s32 s7, $0x3F0  }
.Ltmp22:
0x125: {  	s7 =	sadd.s32 $0x10, s7;
	(pc) =	sbr.rel @p0 .LBB2_36-.Ltmp22, $2  }
0x126: {  	_ =	sdelay $0x2  }
0x127: {  	s28 =	sadd.s32 $0x88, s28;
	s29 =	sadd.s32 s8, s0  }
0x128: {  	[hbm4b:s29+s3] =	stream.linear.scatter [tilespmem:s2], [sflag:$0x5], $0x80, $0x38;
	[tilespmem:$0x19000] =	vst v63  }
0x129: {  	p0 =	sgt.u32 s25, $0xA  }
.Ltmp23:
0x12a: {  	s0 =	sadd.s32 @!p0 s26, s13;
	(pc) =	sbr.rel .LBB2_38-.Ltmp23, $4  }
0x12b: {  	s0 =	sshll.u32 @!p0 s0, $0x7  }
0x12c: {  	s0 =	sand.u32 @!p0 $0x1FFFFF80, s0  }
0x12d: {  	s2 =	simm.s32 @!p0 $0x0;
	s7 =	simm.s32 @!p0 $0x400;
	s0 =	sadd.s32 @!p0 s4, s0  }
0x12e: {  	[tilespmem:s7], [sflag:$0x2] =	stream.linear.gather @!p0 [hbm4b:s0+s2], $0x400, $0x38;
	[tilespmem:$0x19000] =	vst v63  }
.LBB2_40:
0x12f: {  	_ =	sfence.sel $0x180000  }
0x130: {  	[bflag:$0x0] =	sbarrier.arrive $0xFFFF  }
0x131: {  	_ =	strace $0x90000047  }
0x132: {  	s0 =	stileid.u32;
	[bflag:$0x2] =	sbarrier.arrive $0xFFFF  }
0x133: {  	p0 =	sne.s32 s0, $0x0;
	s0 =	rddreg [dreg:$0x2]  }
0x134: {  	s0 =	sadd.s32 @!p0 $0x100000, s0  }
0x135: {  	[sflag:s0] =	ssyncadd.tile.s32 @!p0 $0x1;
	_ =	shalt  }
.Lfunc_end2:
_tile_overlayer_lowered:
.L_overlay_start_2:
0x136: {  	(tag) =	ssettag $0x2  }
0x137: {  	s0 =	rddreg [dreg:$0x0];
	s2 =	stileid.u32  }
0x138: {  	s1 =	rddreg [dreg:$0x1];
	p0 =	sne.s32 s2, $0x0  }
0x139: {  	s3 =	rddreg [dreg:$0x2];
	[bflag:$0x3] =	sbarrier.arrive $0xFFFF;
	s2 =	simm.s32 @!p0 $0x1C06  }
0x13a: {  	[timem:s3], [sflag:s2] =	dma.local @!p0 [hbm:s0], s1  }
0x13b: {  	s0 =	simm.s32 @!p0 $0x6  }
0x13c: {  	_ =	swait.ge @!p0 [sflag:s0], s1  }
0x13d: {  	s1 =	ssub.s32 @!p0 $0x0, s1;
	[sflag:s0] =	ssyncset.done @!p0 $0x0  }
0x13e: {  	[sflag:s0] =	ssyncadd.s32 @!p0 s1  }
0x13f: {  	[bflag:$0x3] =	sbarrier.arrive $0xFFFF  }
0x140: {  	_ =	shalt  }

</sc_bundles>
